<compile_context>
chip_gen: v7x
topology: tpu7x:2x2x1
jax: 0.10.2.dev20260603
libtpu: 0.0.44.dev20260713+nightly
codegen_flags: <defaults>
</compile_context>

<pallas_src>
import jax
import jax.numpy as jnp
from jax import lax
from jax.experimental import pallas as pl
from jax.experimental.pallas import tpu as pltpu
from jax.experimental.pallas import tpu_sc as plsc

N_REAL = 10000
D = 128
D_IN = 256
NC, NS = 2, 16
ROWS_PER_SUB = 640
N_PAD = NS * ROWS_PER_SUB
W_EDGES = 128
N_WIN = 40
E_PAD = NC * NS * N_WIN * W_EDGES
BLK = 512

_MESH = plsc.VectorSubcoreMesh(core_axis_name="c", subcore_axis_name="s")



def _fill_idx(dst_ref, src_ref, j):
    for k in range(8):
        dst_ref[pl.ds(k * 16, 16)] = src_ref[j, pl.ds(k * 16, 16)]


def _hop_body(z_hbm, src_hbm, dst_hbm, out_hbm,
              srcall, dstall,
              srcw0, srcw1, srcw2, srcw3, srcw4, srcw5, srcw6, srcw7,
              dstw0, dstw1, dstw2, dstw3, dstw4, dstw5, dstw6, dstw7,
              rows0, rows1, rows2, rows3, rows4, rows5, rows6, rows7,
              acc_sh, si, sg0, sg1, sg2, sg3, sg4, sg5, sg6, sg7,
              ss0, ss1, ss2, ss3, ss4, ss5, ss6, ss7):
    c = lax.axis_index("c")
    s = lax.axis_index("s")
    slab = pl.ds(s * ROWS_PER_SUB, ROWS_PER_SUB)
    base = (c * NS + s) * N_WIN

    pltpu.async_copy(src_hbm.at[pl.ds(base, N_WIN)], srcall, si)
    pltpu.async_copy(dst_hbm.at[pl.ds(base, N_WIN)], dstall, si)

    @pl.when(c == 0)
    def _():
        pltpu.sync_copy(z_hbm.at[slab], acc_sh.at[slab])

    @pl.when(c == 1)
    def _():
        @pl.loop(0, 32)
        def _(i):
            @pl.loop(0, D, step=16)
            def _(j):
                rows0[i, pl.ds(j, 16)] = jnp.zeros((16,), jnp.float32)

        @pl.loop(0, ROWS_PER_SUB, step=32)
        def _(r):
            pltpu.sync_copy(
                rows0, acc_sh.at[pl.ds(s * ROWS_PER_SUB + r, 32)])

    pltpu.make_async_copy(src_hbm.at[pl.ds(base, N_WIN)], srcall, si).wait()
    pltpu.make_async_copy(dst_hbm.at[pl.ds(base, N_WIN)], dstall, si).wait()
    plsc.subcore_barrier()

    srcw = (srcw0, srcw1, srcw2, srcw3, srcw4, srcw5, srcw6, srcw7)
    dstw = (dstw0, dstw1, dstw2, dstw3, dstw4, dstw5, dstw6, dstw7)
    rows = (rows0, rows1, rows2, rows3, rows4, rows5, rows6, rows7)
    sg = (sg0, sg1, sg2, sg3, sg4, sg5, sg6, sg7)
    ss = (ss0, ss1, ss2, ss3, ss4, ss5, ss6, ss7)

    def fill(slot, row, quarter):
        for k in range(2):
            srcw[slot][pl.ds(k * 16, 16)] = (
                srcall[row, pl.ds(quarter * 32 + k * 16, 16)])
            dstw[slot][pl.ds(k * 16, 16)] = (
                dstall[row, pl.ds(quarter * 32 + k * 16, 16)])

    for k in range(8):
        fill(k, k // 4, k % 4)
        pltpu.async_copy(z_hbm.at[srcw[k]], rows[k], sg[k])

    n_groups = (4 * N_WIN) // 8

    @pl.loop(0, n_groups)
    def _(i):
        for k in range(8):
            pltpu.make_async_copy(z_hbm.at[srcw[k]], rows[k], sg[k]).wait()
            pltpu.async_copy(rows[k], acc_sh.at[dstw[k]], ss[k], add=True)

        @pl.when(i < n_groups - 1)
        def _():
            for k in range(8):
                pltpu.make_async_copy(
                    rows[k], acc_sh.at[dstw[k]], ss[k]).wait()
                fill(k, 2 * i + 2 + k // 4, k % 4)
                pltpu.async_copy(z_hbm.at[srcw[k]], rows[k], sg[k])

    for k in range(8):
        pltpu.make_async_copy(rows[k], acc_sh.at[dstw[k]], ss[k]).wait()

    plsc.subcore_barrier()
    pltpu.sync_copy(acc_sh.at[slab], out_hbm.at[c].at[slab])


@jax.jit
def _sc_hop(z, src2d, dst2d):
    return pl.kernel(
        _hop_body,
        out_type=jax.ShapeDtypeStruct((NC, N_PAD, D), jnp.float32),
        mesh=_MESH,
        scratch_types=(
            [pltpu.VMEM((N_WIN, W_EDGES), jnp.int32)] * 2
            + [pltpu.VMEM((32,), jnp.int32)] * 16
            + [pltpu.VMEM((32, D), jnp.float32)] * 8
            + [pltpu.VMEM_SHARED((N_PAD, D), jnp.float32)]
            + [pltpu.SemaphoreType.DMA] * 17
        ),
    )(z, src2d, dst2d)



def _deg_body(dst_hbm, out_hbm, dstall, dstw0, dstw1, dstw2, dstw3,
              ones_v, zero_v, acc_sh, si, ss0, ss1, ss2, ss3):
    c = lax.axis_index("c")
    s = lax.axis_index("s")
    slab = pl.ds(s * ROWS_PER_SUB, ROWS_PER_SUB)
    base = (c * NS + s) * N_WIN
    pltpu.async_copy(dst_hbm.at[pl.ds(base, N_WIN)], dstall, si)

    @pl.loop(0, W_EDGES)
    def _(i):
        @pl.loop(0, D, step=16)
        def _(j):
            ones_v[i, pl.ds(j, 16)] = jnp.full((16,), 1.0, jnp.float32)

    @pl.when(c == 1)
    def _():
        @pl.loop(0, W_EDGES)
        def _(i):
            @pl.loop(0, D, step=16)
            def _(j):
                zero_v[i, pl.ds(j, 16)] = jnp.zeros((16,), jnp.float32)

    @pl.loop(0, ROWS_PER_SUB, step=W_EDGES)
    def _(r):
        tgt = acc_sh.at[pl.ds(s * ROWS_PER_SUB + r, W_EDGES)]

        @pl.when(c == 0)
        def _():
            pltpu.sync_copy(ones_v, tgt)

        @pl.when(c == 1)
        def _():
            pltpu.sync_copy(zero_v, tgt)

    pltpu.make_async_copy(dst_hbm.at[pl.ds(base, N_WIN)], dstall, si).wait()
    plsc.subcore_barrier()

    dstw = (dstw0, dstw1, dstw2, dstw3)
    ss = (ss0, ss1, ss2, ss3)

    for k in range(4):
        _fill_idx(dstw[k], dstall, k)
        pltpu.async_copy(ones_v, acc_sh.at[dstw[k]], ss[k], add=True)

    @pl.loop(0, N_WIN // 4)
    def _(i):
        @pl.when(i < N_WIN // 4 - 1)
        def _():
            for k in range(4):
                pltpu.make_async_copy(ones_v, acc_sh.at[dstw[k]], ss[k]).wait()
                _fill_idx(dstw[k], dstall, 4 * i + 4 + k)
                pltpu.async_copy(ones_v, acc_sh.at[dstw[k]], ss[k], add=True)

    for k in range(4):
        pltpu.make_async_copy(ones_v, acc_sh.at[dstw[k]], ss[k]).wait()

    plsc.subcore_barrier()
    pltpu.sync_copy(acc_sh.at[slab], out_hbm.at[c].at[slab])


@jax.jit
def _sc_deg(dst2d):
    return pl.kernel(
        _deg_body,
        out_type=jax.ShapeDtypeStruct((NC, N_PAD, D), jnp.float32),
        mesh=_MESH,
        scratch_types=(
            [pltpu.VMEM((N_WIN, W_EDGES), jnp.int32)]
            + [pltpu.VMEM((W_EDGES,), jnp.int32)] * 4
            + [pltpu.VMEM((W_EDGES, D), jnp.float32)] * 2
            + [pltpu.VMEM_SHARED((N_PAD, D), jnp.float32)]
            + [pltpu.SemaphoreType.DMA] * 5
        ),
    )(dst2d)



def _mm_body(x_ref, w_ref, o_ref):
    o_ref[...] = lax.dot_general(
        x_ref[...], w_ref[...], (((1,), (1,)), ((), ())),
        preferred_element_type=jnp.float32,
        precision=lax.Precision.HIGHEST,
    )


@jax.jit
def _tc_mm(x_pad, w):
    return pl.pallas_call(
        _mm_body,
        grid=(N_PAD // BLK,),
        in_specs=[
            pl.BlockSpec((BLK, D_IN), lambda i: (i, 0)),
            pl.BlockSpec((D, D_IN), lambda i: (0, 0)),
        ],
        out_specs=pl.BlockSpec((BLK, D), lambda i: (i, 0)),
        out_shape=jax.ShapeDtypeStruct((N_PAD, D), jnp.float32),
    )(x_pad, w)


def _z_body(y_ref, pd_ref, z_ref, degb_ref):
    degb = pd_ref[0] + pd_ref[1]
    degb_ref[...] = degb
    z_ref[...] = y_ref[...] * lax.rsqrt(degb)


@jax.jit
def _tc_z(y, pd):
    return pl.pallas_call(
        _z_body,
        grid=(N_PAD // BLK,),
        in_specs=[
            pl.BlockSpec((BLK, D), lambda i: (i, 0)),
            pl.BlockSpec((NC, BLK, D), lambda i: (0, i, 0)),
        ],
        out_specs=[
            pl.BlockSpec((BLK, D), lambda i: (i, 0)),
            pl.BlockSpec((BLK, D), lambda i: (i, 0)),
        ],
        out_shape=[
            jax.ShapeDtypeStruct((N_PAD, D), jnp.float32),
            jax.ShapeDtypeStruct((N_PAD, D), jnp.float32),
        ],
    )(y, pd)


def _mid_body(p_ref, degb_ref, v_ref):
    v_ref[...] = (p_ref[0] + p_ref[1]) / degb_ref[...]


@jax.jit
def _tc_mid(p, degb):
    return pl.pallas_call(
        _mid_body,
        grid=(N_PAD // BLK,),
        in_specs=[
            pl.BlockSpec((NC, BLK, D), lambda i: (0, i, 0)),
            pl.BlockSpec((BLK, D), lambda i: (i, 0)),
        ],
        out_specs=pl.BlockSpec((BLK, D), lambda i: (i, 0)),
        out_shape=jax.ShapeDtypeStruct((N_PAD, D), jnp.float32),
    )(p, degb)


def _out_body(q_ref, degb_ref, b_ref, o_ref):
    o = (q_ref[0] + q_ref[1]) * lax.rsqrt(degb_ref[...]) + b_ref[...]
    m = jnp.max(o, axis=1, keepdims=True)
    e = jnp.exp(o - m)
    ssum = jnp.sum(e, axis=1, keepdims=True)
    o_ref[...] = o - m - jnp.log(ssum)


@jax.jit
def _tc_out(q, degb, b2d):
    blk = 1000
    return pl.pallas_call(
        _out_body,
        grid=(N_REAL // blk,),
        in_specs=[
            pl.BlockSpec((NC, blk, D), lambda i: (0, i, 0)),
            pl.BlockSpec((blk, D), lambda i: (i, 0)),
            pl.BlockSpec((1, D), lambda i: (0, 0)),
        ],
        out_specs=pl.BlockSpec((blk, D), lambda i: (i, 0)),
        out_shape=jax.ShapeDtypeStruct((N_REAL, D), jnp.float32),
    )(q, degb, b2d)



def kernel(x, edge_index, W, b):
    src = edge_index[0].astype(jnp.int32)
    dst = edge_index[1].astype(jnp.int32)
    n_extra = E_PAD - src.shape[0]
    sink = (jnp.arange(n_extra, dtype=jnp.int32) % 240) + N_REAL
    src2d = jnp.concatenate([src, sink]).reshape(E_PAD // W_EDGES, W_EDGES)
    dst2d = jnp.concatenate([dst, sink]).reshape(E_PAD // W_EDGES, W_EDGES)
    x_pad = jnp.pad(x, ((0, N_PAD - N_REAL), (0, 0)))

    pd = _sc_deg(dst2d)
    y = _tc_mm(x_pad, W)
    z, degb = _tc_z(y, pd)
    p1 = _sc_hop(z, src2d, dst2d)
    v = _tc_mid(p1, degb)
    p2 = _sc_hop(v, src2d, dst2d)
    return _tc_out(p2, degb, b.reshape(1, D))

# --- scband reference (transcript-rebuilt; emitter-appended) ---
"""Pipeline reference for scband-sgcnet1-77309411328440 (READ-ONLY COPY).

The authoritative reference and input builder live on the scoring server;
editing this copy changes nothing except your own understanding.
"""

import jax, jax.numpy as jnp
import numpy as np

N_NODES = 10000
IN_CH = 256
OUT_CH = 128
K_HOPS = 2

def setup_inputs(seed: int = 0) -> dict:
    key = jax.random.key(seed)
    k1, k2, k3, k4 = jax.random.split(key, 4)
    x = jax.random.normal(k1, (N_NODES, IN_CH), dtype=jnp.float32)
    edge_index = jax.random.randint(k2, (2, 160000), 0, N_NODES, dtype=jnp.int64)
    # Linear layer params (torch.nn.Linear convention: W [out, in], b [out])
    bound = 1.0 / np.sqrt(IN_CH)
    W = jax.random.uniform(k3, (OUT_CH, IN_CH), dtype=jnp.float32, minval=-bound, maxval=bound)
    b = jax.random.uniform(k4, (OUT_CH,), dtype=jnp.float32, minval=-bound, maxval=bound)
    return {"x": x, "edge_index": edge_index, "W": W, "b": b}

def reference(x, edge_index, W, b):
    # SGCNet1 forward (eval mode: dropout is identity).
    # SGConv: K-hop GCN-normalized propagation (with self-loops) then Linear.
    N = x.shape[0]
    src = jnp.concatenate([edge_index[0], jnp.arange(N, dtype=edge_index.dtype)])
    dst = jnp.concatenate([edge_index[1], jnp.arange(N, dtype=edge_index.dtype)])
    w = jnp.ones(src.shape[0], dtype=x.dtype)
    deg = jax.ops.segment_sum(w, dst, num_segments=N)
    deg_inv_sqrt = jnp.where(deg > 0, deg ** -0.5, 0.0)
    norm = deg_inv_sqrt[src] * w * deg_inv_sqrt[dst]
    h = x
    for _ in range(K_HOPS):
        msg = norm[:, None] * h[src]
        h = jax.ops.segment_sum(msg, dst, num_segments=N)
    out = h @ W.T + b
    return jax.nn.log_softmax(out, axis=1)

if __name__ == "__main__":
    import jax
    _d = setup_inputs()
    print(jax.jit(kernel)(*tuple(_d.values())))

</pallas_src>

<mosaic_0001>
#map = affine_map<(d0, d1) -> (0, 0)>
#map1 = affine_map<(d0, d1) -> (0, 0, 0)>
module attributes {stable_mosaic.version = 14 : i64} {
  func.func @_deg_body(%arg0: i32, %arg1: i32, %arg2: memref<1280x128xi32, #tpu.memory_space<hbm>>, %arg3: memref<2x10240x128xf32, #tpu.memory_space<hbm>>, %arg4: memref<40x128xi32, #tpu.memory_space<vmem>>, %arg5: memref<128xi32, #tpu.memory_space<vmem>>, %arg6: memref<128xi32, #tpu.memory_space<vmem>>, %arg7: memref<128xi32, #tpu.memory_space<vmem>>, %arg8: memref<128xi32, #tpu.memory_space<vmem>>, %arg9: memref<128x128xf32, #tpu.memory_space<vmem>>, %arg10: memref<128x128xf32, #tpu.memory_space<vmem>>, %arg11: memref<10240x128xf32, #tpu.memory_space<vmem_shared>>, %arg12: memref<!tpu.dma_semaphore, #tpu.memory_space<semaphore_mem>>, %arg13: memref<!tpu.dma_semaphore, #tpu.memory_space<semaphore_mem>>, %arg14: memref<!tpu.dma_semaphore, #tpu.memory_space<semaphore_mem>>, %arg15: memref<!tpu.dma_semaphore, #tpu.memory_space<semaphore_mem>>, %arg16: memref<!tpu.dma_semaphore, #tpu.memory_space<semaphore_mem>>) attributes {dimension_semantics = [#tpu.dimension_semantics<core_parallel>, #tpu.dimension_semantics<subcore_parallel>], iteration_bounds = array<i64: 2, 16>, scalar_prefetch = 0 : i64, scratch_operands = 13 : i64, tpu.core_type = #tpu.core_type<sc_vector_subcore>, window_params = [{transform_indices = #map}, {transform_indices = #map1}]} {
    %mul3A = arith.constant 640 : i32
    %mul3A_0 = arith.muli %arg1, %mul3A : i32
    %mul3A_1 = arith.constant 16 : i32
    %mul3A_2 = arith.muli %arg0, %mul3A_1 : i32
    %add3A = arith.addi %mul3A_2, %arg1 : i32
    %mul3A_3 = arith.constant 40 : i32
    %mul3A_4 = arith.muli %add3A, %mul3A_3 : i32
    %dma_start3A = arith.constant 0 : i32
    %dma_start3A_5 = tpu.memref_slice %arg2[%mul3A_4, %dma_start3A] : memref<1280x128xi32, #tpu.memory_space<hbm>> -> memref<40x128xi32, #tpu.memory_space<hbm>>
    %dma_start3A_6 = arith.constant 0 : i32
    %dma_start3A_7 = tpu.memref_slice %arg2[%mul3A_4, %dma_start3A_6] : memref<1280x128xi32, #tpu.memory_space<hbm>> -> memref<40x128xi32, #tpu.memory_space<hbm>>
    tpu.enqueue_dma source(%dma_start3A_7 : memref<40x128xi32, #tpu.memory_space<hbm>>) target(%arg4 : memref<40x128xi32, #tpu.memory_space<vmem>>) target_semaphore(%arg12 : memref<!tpu.dma_semaphore, #tpu.memory_space<semaphore_mem>>)
    %scan3A = arith.constant 0 : i32
    %scan3A_8 = arith.constant 128 : i32
    %scan3A_9 = arith.addi %scan3A, %scan3A_8 : i32
    %scan3A_10 = arith.constant 1 : i32
    scf.for %scan3A_338 = %scan3A to %scan3A_9 step %scan3A_10  : i32 {
      %mul3A_339 = arith.constant 1 : i32
      %mul3A_340 = arith.muli %scan3A_338, %mul3A_339 : i32
      %add3A_341 = arith.constant 0 : i32
      %add3A_342 = arith.addi %add3A_341, %mul3A_340 : i32
      %scan3A_343 = arith.constant 0 : i32
      %scan3A_344 = arith.constant 8 : i32
      %scan3A_345 = arith.addi %scan3A_343, %scan3A_344 : i32
      %scan3A_346 = arith.constant 1 : i32
      scf.for %scan3A_348 = %scan3A_343 to %scan3A_345 step %scan3A_346  : i32 {
        %mul3A_349 = arith.constant 16 : i32
        %mul3A_350 = arith.muli %scan3A_348, %mul3A_349 : i32
        %add3A_351 = arith.constant 0 : i32
        %add3A_352 = arith.addi %add3A_351, %mul3A_350 : i32
        %broadcast_in_dim3A = arith.constant 1.000000e+00 : f32
        %broadcast_in_dim3A_353 = vector.broadcast %broadcast_in_dim3A : f32 to vector<16xf32>
        %swap3A_354 = arith.index_cast %add3A_342 : i32 to index
        %swap3A_355 = arith.index_cast %add3A_352 : i32 to index
        %swap3A_356 = tpu.vector_load %arg9[%swap3A_354, %swap3A_355] {strides = array<i32>} : memref<128x128xf32, #tpu.memory_space<vmem>>, vector<1x16xf32>,
        %swap3A_357 = vector.shape_cast %swap3A_356 : vector<1x16xf32> to vector<16xf32>
        %swap3A_358 = vector.shape_cast %broadcast_in_dim3A_353 : vector<16xf32> to vector<1x16xf32>
        tpu.vector_store %arg9[%swap3A_354, %swap3A_355], %swap3A_358 {strides = array<i32>} : memref<128x128xf32, #tpu.memory_space<vmem>>, vector<1x16xf32>,
      }
      %scan3A_347 = arith.constant 8 : i32
    }
    %scan3A_11 = arith.constant 128 : i32
    %eq3A = arith.constant 1 : i32
    %eq3A_12 = arith.cmpi eq, %arg0, %eq3A : i32
    %convert_element_type3A = arith.extui %eq3A_12 : i1 to i32
    %cond3A = arith.constant 0 : i32
    %cond3A_13 = arith.cmpi ne, %convert_element_type3A, %cond3A : i32
    scf.if %cond3A_13 {
      %scan3A_338 = arith.constant 0 : i32
      %scan3A_339 = arith.constant 128 : i32
      %scan3A_340 = arith.addi %scan3A_338, %scan3A_339 : i32
      %scan3A_341 = arith.constant 1 : i32
      scf.for %scan3A_343 = %scan3A_338 to %scan3A_340 step %scan3A_341  : i32 {
        %mul3A_344 = arith.constant 1 : i32
        %mul3A_345 = arith.muli %scan3A_343, %mul3A_344 : i32
        %add3A_346 = arith.constant 0 : i32
        %add3A_347 = arith.addi %add3A_346, %mul3A_345 : i32
        %scan3A_348 = arith.constant 0 : i32
        %scan3A_349 = arith.constant 8 : i32
        %scan3A_350 = arith.addi %scan3A_348, %scan3A_349 : i32
        %scan3A_351 = arith.constant 1 : i32
        scf.for %scan3A_353 = %scan3A_348 to %scan3A_350 step %scan3A_351  : i32 {
          %mul3A_354 = arith.constant 16 : i32
          %mul3A_355 = arith.muli %scan3A_353, %mul3A_354 : i32
          %add3A_356 = arith.constant 0 : i32
          %add3A_357 = arith.addi %add3A_356, %mul3A_355 : i32
          %broadcast_in_dim3A = arith.constant 0.000000e+00 : f32
          %broadcast_in_dim3A_358 = vector.broadcast %broadcast_in_dim3A : f32 to vector<16xf32>
          %swap3A_359 = arith.index_cast %add3A_347 : i32 to index
          %swap3A_360 = arith.index_cast %add3A_357 : i32 to index
          %swap3A_361 = tpu.vector_load %arg10[%swap3A_359, %swap3A_360] {strides = array<i32>} : memref<128x128xf32, #tpu.memory_space<vmem>>, vector<1x16xf32>,
          %swap3A_362 = vector.shape_cast %swap3A_361 : vector<1x16xf32> to vector<16xf32>
          %swap3A_363 = vector.shape_cast %broadcast_in_dim3A_358 : vector<16xf32> to vector<1x16xf32>
          tpu.vector_store %arg10[%swap3A_359, %swap3A_360], %swap3A_363 {strides = array<i32>} : memref<128x128xf32, #tpu.memory_space<vmem>>, vector<1x16xf32>,
        }
        %scan3A_352 = arith.constant 8 : i32
      }
      %scan3A_342 = arith.constant 128 : i32
    } else {
    }
    %scan3A_14 = arith.constant 0 : i32
    %scan3A_15 = arith.constant 5 : i32
    %scan3A_16 = arith.addi %scan3A_14, %scan3A_15 : i32
    %scan3A_17 = arith.constant 1 : i32
    scf.for %scan3A_338 = %scan3A_14 to %scan3A_16 step %scan3A_17  : i32 {
      %mul3A_339 = arith.constant 128 : i32
      %mul3A_340 = arith.muli %scan3A_338, %mul3A_339 : i32
      %add3A_341 = arith.constant 0 : i32
      %add3A_342 = arith.addi %add3A_341, %mul3A_340 : i32
      %mul3A_343 = arith.constant 640 : i32
      %mul3A_344 = arith.muli %arg1, %mul3A_343 : i32
      %add3A_345 = arith.addi %mul3A_344, %add3A_342 : i32
      %eq3A_346 = arith.constant 0 : i32
      %eq3A_347 = arith.cmpi eq, %arg0, %eq3A_346 : i32
      %convert_element_type3A_348 = arith.extui %eq3A_347 : i1 to i32
      %cond3A_349 = arith.constant 0 : i32
      %cond3A_350 = arith.cmpi ne, %convert_element_type3A_348, %cond3A_349 : i32
      scf.if %cond3A_350 {
        "tpu.region"() ({
          %run_scoped3A = tpu.sem_alloc : memref<!tpu.dma_semaphore, #tpu.memory_space<semaphore_mem>>
          %dma_start3A_356 = arith.constant 0 : i32
          %dma_start3A_357 = tpu.memref_slice %arg11[%add3A_345, %dma_start3A_356] : memref<10240x128xf32, #tpu.memory_space<vmem_shared>> -> memref<128x128xf32, #tpu.memory_space<vmem_shared>>
          %dma_start3A_358 = arith.constant 0 : i32
          %dma_start3A_359 = tpu.memref_slice %arg11[%add3A_345, %dma_start3A_358] : memref<10240x128xf32, #tpu.memory_space<vmem_shared>> -> memref<128x128xf32, #tpu.memory_space<vmem_shared>>
          tpu.enqueue_dma source(%arg9 : memref<128x128xf32, #tpu.memory_space<vmem>>) target(%dma_start3A_359 : memref<128x128xf32, #tpu.memory_space<vmem_shared>>) target_semaphore(%run_scoped3A : memref<!tpu.dma_semaphore, #tpu.memory_space<semaphore_mem>>)
          %dma_wait3A_360 = arith.constant 0 : i32
          %dma_wait3A_361 = tpu.memref_slice %arg11[%add3A_345, %dma_wait3A_360] : memref<10240x128xf32, #tpu.memory_space<vmem_shared>> -> memref<128x128xf32, #tpu.memory_space<vmem_shared>>
          %dma_wait3A_362 = arith.constant 0 : i32
          %dma_wait3A_363 = tpu.memref_slice %arg11[%add3A_345, %dma_wait3A_362] : memref<10240x128xf32, #tpu.memory_space<vmem_shared>> -> memref<128x128xf32, #tpu.memory_space<vmem_shared>>
          tpu.wait_dma2 semaphore(%run_scoped3A : memref<!tpu.dma_semaphore, #tpu.memory_space<semaphore_mem>>) src(%arg9 : memref<128x128xf32, #tpu.memory_space<vmem>>) dst(%dma_wait3A_363 : memref<128x128xf32, #tpu.memory_space<vmem_shared>>)
          tpu.yield
        }) : () -> ()
      } else {
      }
      %eq3A_351 = arith.constant 1 : i32
      %eq3A_352 = arith.cmpi eq, %arg0, %eq3A_351 : i32
      %convert_element_type3A_353 = arith.extui %eq3A_352 : i1 to i32
      %cond3A_354 = arith.constant 0 : i32
      %cond3A_355 = arith.cmpi ne, %convert_element_type3A_353, %cond3A_354 : i32
      scf.if %cond3A_355 {
        "tpu.region"() ({
          %run_scoped3A = tpu.sem_alloc : memref<!tpu.dma_semaphore, #tpu.memory_space<semaphore_mem>>
          %dma_start3A_356 = arith.constant 0 : i32
          %dma_start3A_357 = tpu.memref_slice %arg11[%add3A_345, %dma_start3A_356] : memref<10240x128xf32, #tpu.memory_space<vmem_shared>> -> memref<128x128xf32, #tpu.memory_space<vmem_shared>>
          %dma_start3A_358 = arith.constant 0 : i32
          %dma_start3A_359 = tpu.memref_slice %arg11[%add3A_345, %dma_start3A_358] : memref<10240x128xf32, #tpu.memory_space<vmem_shared>> -> memref<128x128xf32, #tpu.memory_space<vmem_shared>>
          tpu.enqueue_dma source(%arg10 : memref<128x128xf32, #tpu.memory_space<vmem>>) target(%dma_start3A_359 : memref<128x128xf32, #tpu.memory_space<vmem_shared>>) target_semaphore(%run_scoped3A : memref<!tpu.dma_semaphore, #tpu.memory_space<semaphore_mem>>)
          %dma_wait3A_360 = arith.constant 0 : i32
          %dma_wait3A_361 = tpu.memref_slice %arg11[%add3A_345, %dma_wait3A_360] : memref<10240x128xf32, #tpu.memory_space<vmem_shared>> -> memref<128x128xf32, #tpu.memory_space<vmem_shared>>
          %dma_wait3A_362 = arith.constant 0 : i32
          %dma_wait3A_363 = tpu.memref_slice %arg11[%add3A_345, %dma_wait3A_362] : memref<10240x128xf32, #tpu.memory_space<vmem_shared>> -> memref<128x128xf32, #tpu.memory_space<vmem_shared>>
          tpu.wait_dma2 semaphore(%run_scoped3A : memref<!tpu.dma_semaphore, #tpu.memory_space<semaphore_mem>>) src(%arg10 : memref<128x128xf32, #tpu.memory_space<vmem>>) dst(%dma_wait3A_363 : memref<128x128xf32, #tpu.memory_space<vmem_shared>>)
          tpu.yield
        }) : () -> ()
      } else {
      }
    }
    %scan3A_18 = arith.constant 5 : i32
    %dma_wait3A = arith.constant 0 : i32
    %dma_wait3A_19 = tpu.memref_slice %arg2[%mul3A_4, %dma_wait3A] : memref<1280x128xi32, #tpu.memory_space<hbm>> -> memref<40x128xi32, #tpu.memory_space<hbm>>
    %dma_wait3A_20 = arith.constant 0 : i32
    %dma_wait3A_21 = tpu.memref_slice %arg2[%mul3A_4, %dma_wait3A_20] : memref<1280x128xi32, #tpu.memory_space<hbm>> -> memref<40x128xi32, #tpu.memory_space<hbm>>
    tpu.wait_dma2 semaphore(%arg12 : memref<!tpu.dma_semaphore, #tpu.memory_space<semaphore_mem>>) src(%dma_wait3A_21 : memref<40x128xi32, #tpu.memory_space<hbm>>) dst(%arg4 : memref<40x128xi32, #tpu.memory_space<vmem>>)
    %barrier3A = arith.constant 0 : index
    tpu.barrier barrier_id(%barrier3A)
    %get3A = arith.constant 0 : i32
    %get3A_22 = arith.index_cast %get3A : i32 to index
    %get3A_23 = arith.constant 0 : index
    %get3A_24 = tpu.vector_load %arg4[%get3A_22, %get3A_23] {strides = array<i32>} : memref<40x128xi32, #tpu.memory_space<vmem>>, vector<1x16xi32>,
    %get3A_25 = vector.shape_cast %get3A_24 : vector<1x16xi32> to vector<16xi32>
    %swap3A = arith.constant 0 : index
    %swap3A_26 = tpu.vector_load %arg5[%swap3A] {strides = array<i32>} : memref<128xi32, #tpu.memory_space<vmem>>, vector<16xi32>,
    %swap3A_27 = vector.shape_cast %swap3A_26 : vector<16xi32> to vector<16xi32>
    %swap3A_28 = vector.shape_cast %get3A_25 : vector<16xi32> to vector<16xi32>
    tpu.vector_store %arg5[%swap3A], %swap3A_28 {strides = array<i32>} : memref<128xi32, #tpu.memory_space<vmem>>, vector<16xi32>,
    %get3A_29 = arith.constant 0 : i32
    %get3A_30 = arith.index_cast %get3A_29 : i32 to index
    %get3A_31 = arith.constant 16 : index
    %get3A_32 = tpu.vector_load %arg4[%get3A_30, %get3A_31] {strides = array<i32>} : memref<40x128xi32, #tpu.memory_space<vmem>>, vector<1x16xi32>,
    %get3A_33 = vector.shape_cast %get3A_32 : vector<1x16xi32> to vector<16xi32>
    %swap3A_34 = arith.constant 16 : index
    %swap3A_35 = tpu.vector_load %arg5[%swap3A_34] {strides = array<i32>} : memref<128xi32, #tpu.memory_space<vmem>>, vector<16xi32>,
    %swap3A_36 = vector.shape_cast %swap3A_35 : vector<16xi32> to vector<16xi32>
    %swap3A_37 = vector.shape_cast %get3A_33 : vector<16xi32> to vector<16xi32>
    tpu.vector_store %arg5[%swap3A_34], %swap3A_37 {strides = array<i32>} : memref<128xi32, #tpu.memory_space<vmem>>, vector<16xi32>,
    %get3A_38 = arith.constant 0 : i32
    %get3A_39 = arith.index_cast %get3A_38 : i32 to index
    %get3A_40 = arith.constant 32 : index
    %get3A_41 = tpu.vector_load %arg4[%get3A_39, %get3A_40] {strides = array<i32>} : memref<40x128xi32, #tpu.memory_space<vmem>>, vector<1x16xi32>,
    %get3A_42 = vector.shape_cast %get3A_41 : vector<1x16xi32> to vector<16xi32>
    %swap3A_43 = arith.constant 32 : index
    %swap3A_44 = tpu.vector_load %arg5[%swap3A_43] {strides = array<i32>} : memref<128xi32, #tpu.memory_space<vmem>>, vector<16xi32>,
    %swap3A_45 = vector.shape_cast %swap3A_44 : vector<16xi32> to vector<16xi32>
    %swap3A_46 = vector.shape_cast %get3A_42 : vector<16xi32> to vector<16xi32>
    tpu.vector_store %arg5[%swap3A_43], %swap3A_46 {strides = array<i32>} : memref<128xi32, #tpu.memory_space<vmem>>, vector<16xi32>,
    %get3A_47 = arith.constant 0 : i32
    %get3A_48 = arith.index_cast %get3A_47 : i32 to index
    %get3A_49 = arith.constant 48 : index
    %get3A_50 = tpu.vector_load %arg4[%get3A_48, %get3A_49] {strides = array<i32>} : memref<40x128xi32, #tpu.memory_space<vmem>>, vector<1x16xi32>,
    %get3A_51 = vector.shape_cast %get3A_50 : vector<1x16xi32> to vector<16xi32>
    %swap3A_52 = arith.constant 48 : index
    %swap3A_53 = tpu.vector_load %arg5[%swap3A_52] {strides = array<i32>} : memref<128xi32, #tpu.memory_space<vmem>>, vector<16xi32>,
    %swap3A_54 = vector.shape_cast %swap3A_53 : vector<16xi32> to vector<16xi32>
    %swap3A_55 = vector.shape_cast %get3A_51 : vector<16xi32> to vector<16xi32>
    tpu.vector_store %arg5[%swap3A_52], %swap3A_55 {strides = array<i32>} : memref<128xi32, #tpu.memory_space<vmem>>, vector<16xi32>,
    %get3A_56 = arith.constant 0 : i32
    %get3A_57 = arith.index_cast %get3A_56 : i32 to index
    %get3A_58 = arith.constant 64 : index
    %get3A_59 = tpu.vector_load %arg4[%get3A_57, %get3A_58] {strides = array<i32>} : memref<40x128xi32, #tpu.memory_space<vmem>>, vector<1x16xi32>,
    %get3A_60 = vector.shape_cast %get3A_59 : vector<1x16xi32> to vector<16xi32>
    %swap3A_61 = arith.constant 64 : index
    %swap3A_62 = tpu.vector_load %arg5[%swap3A_61] {strides = array<i32>} : memref<128xi32, #tpu.memory_space<vmem>>, vector<16xi32>,
    %swap3A_63 = vector.shape_cast %swap3A_62 : vector<16xi32> to vector<16xi32>
    %swap3A_64 = vector.shape_cast %get3A_60 : vector<16xi32> to vector<16xi32>
    tpu.vector_store %arg5[%swap3A_61], %swap3A_64 {strides = array<i32>} : memref<128xi32, #tpu.memory_space<vmem>>, vector<16xi32>,
    %get3A_65 = arith.constant 0 : i32
    %get3A_66 = arith.index_cast %get3A_65 : i32 to index
    %get3A_67 = arith.constant 80 : index
    %get3A_68 = tpu.vector_load %arg4[%get3A_66, %get3A_67] {strides = array<i32>} : memref<40x128xi32, #tpu.memory_space<vmem>>, vector<1x16xi32>,
    %get3A_69 = vector.shape_cast %get3A_68 : vector<1x16xi32> to vector<16xi32>
    %swap3A_70 = arith.constant 80 : index
    %swap3A_71 = tpu.vector_load %arg5[%swap3A_70] {strides = array<i32>} : memref<128xi32, #tpu.memory_space<vmem>>, vector<16xi32>,
    %swap3A_72 = vector.shape_cast %swap3A_71 : vector<16xi32> to vector<16xi32>
    %swap3A_73 = vector.shape_cast %get3A_69 : vector<16xi32> to vector<16xi32>
    tpu.vector_store %arg5[%swap3A_70], %swap3A_73 {strides = array<i32>} : memref<128xi32, #tpu.memory_space<vmem>>, vector<16xi32>,
    %get3A_74 = arith.constant 0 : i32
    %get3A_75 = arith.index_cast %get3A_74 : i32 to index
    %get3A_76 = arith.constant 96 : index
    %get3A_77 = tpu.vector_load %arg4[%get3A_75, %get3A_76] {strides = array<i32>} : memref<40x128xi32, #tpu.memory_space<vmem>>, vector<1x16xi32>,
    %get3A_78 = vector.shape_cast %get3A_77 : vector<1x16xi32> to vector<16xi32>
    %swap3A_79 = arith.constant 96 : index
    %swap3A_80 = tpu.vector_load %arg5[%swap3A_79] {strides = array<i32>} : memref<128xi32, #tpu.memory_space<vmem>>, vector<16xi32>,
    %swap3A_81 = vector.shape_cast %swap3A_80 : vector<16xi32> to vector<16xi32>
    %swap3A_82 = vector.shape_cast %get3A_78 : vector<16xi32> to vector<16xi32>
    tpu.vector_store %arg5[%swap3A_79], %swap3A_82 {strides = array<i32>} : memref<128xi32, #tpu.memory_space<vmem>>, vector<16xi32>,
    %get3A_83 = arith.constant 0 : i32
    %get3A_84 = arith.index_cast %get3A_83 : i32 to index
    %get3A_85 = arith.constant 112 : index
    %get3A_86 = tpu.vector_load %arg4[%get3A_84, %get3A_85] {strides = array<i32>} : memref<40x128xi32, #tpu.memory_space<vmem>>, vector<1x16xi32>,
    %get3A_87 = vector.shape_cast %get3A_86 : vector<1x16xi32> to vector<16xi32>
    %swap3A_88 = arith.constant 112 : index
    %swap3A_89 = tpu.vector_load %arg5[%swap3A_88] {strides = array<i32>} : memref<128xi32, #tpu.memory_space<vmem>>, vector<16xi32>,
    %swap3A_90 = vector.shape_cast %swap3A_89 : vector<16xi32> to vector<16xi32>
    %swap3A_91 = vector.shape_cast %get3A_87 : vector<16xi32> to vector<16xi32>
    tpu.vector_store %arg5[%swap3A_88], %swap3A_91 {strides = array<i32>} : memref<128xi32, #tpu.memory_space<vmem>>, vector<16xi32>,
    %dma_start3A_92 = arith.constant 0 : i32
    %dma_start3A_93 = arith.constant 0 : i32
    %dma_start3A_94 = tpu.memref_slice %arg11[%dma_start3A_92, %dma_start3A_93] : memref<10240x128xf32, #tpu.memory_space<vmem_shared>> -> memref<10240x128xf32, #tpu.memory_space<vmem_shared>>
    tpu.enqueue_indirect_dma source(%arg9 : memref<128x128xf32, #tpu.memory_space<vmem>>) target(%dma_start3A_94 : memref<10240x128xf32, #tpu.memory_space<vmem_shared>>) offsets(%arg5 : memref<128xi32, #tpu.memory_space<vmem>>) semaphore(%arg13 : memref<!tpu.dma_semaphore, #tpu.memory_space<semaphore_mem>>) {add = true}
    %get3A_95 = arith.constant 1 : i32
    %get3A_96 = arith.index_cast %get3A_95 : i32 to index
    %get3A_97 = arith.constant 0 : index
    %get3A_98 = tpu.vector_load %arg4[%get3A_96, %get3A_97] {strides = array<i32>} : memref<40x128xi32, #tpu.memory_space<vmem>>, vector<1x16xi32>,
    %get3A_99 = vector.shape_cast %get3A_98 : vector<1x16xi32> to vector<16xi32>
    %swap3A_100 = arith.constant 0 : index
    %swap3A_101 = tpu.vector_load %arg6[%swap3A_100] {strides = array<i32>} : memref<128xi32, #tpu.memory_space<vmem>>, vector<16xi32>,
    %swap3A_102 = vector.shape_cast %swap3A_101 : vector<16xi32> to vector<16xi32>
    %swap3A_103 = vector.shape_cast %get3A_99 : vector<16xi32> to vector<16xi32>
    tpu.vector_store %arg6[%swap3A_100], %swap3A_103 {strides = array<i32>} : memref<128xi32, #tpu.memory_space<vmem>>, vector<16xi32>,
    %get3A_104 = arith.constant 1 : i32
    %get3A_105 = arith.index_cast %get3A_104 : i32 to index
    %get3A_106 = arith.constant 16 : index
    %get3A_107 = tpu.vector_load %arg4[%get3A_105, %get3A_106] {strides = array<i32>} : memref<40x128xi32, #tpu.memory_space<vmem>>, vector<1x16xi32>,
    %get3A_108 = vector.shape_cast %get3A_107 : vector<1x16xi32> to vector<16xi32>
    %swap3A_109 = arith.constant 16 : index
    %swap3A_110 = tpu.vector_load %arg6[%swap3A_109] {strides = array<i32>} : memref<128xi32, #tpu.memory_space<vmem>>, vector<16xi32>,
    %swap3A_111 = vector.shape_cast %swap3A_110 : vector<16xi32> to vector<16xi32>
    %swap3A_112 = vector.shape_cast %get3A_108 : vector<16xi32> to vector<16xi32>
    tpu.vector_store %arg6[%swap3A_109], %swap3A_112 {strides = array<i32>} : memref<128xi32, #tpu.memory_space<vmem>>, vector<16xi32>,
    %get3A_113 = arith.constant 1 : i32
    %get3A_114 = arith.index_cast %get3A_113 : i32 to index
    %get3A_115 = arith.constant 32 : index
    %get3A_116 = tpu.vector_load %arg4[%get3A_114, %get3A_115] {strides = array<i32>} : memref<40x128xi32, #tpu.memory_space<vmem>>, vector<1x16xi32>,
    %get3A_117 = vector.shape_cast %get3A_116 : vector<1x16xi32> to vector<16xi32>
    %swap3A_118 = arith.constant 32 : index
    %swap3A_119 = tpu.vector_load %arg6[%swap3A_118] {strides = array<i32>} : memref<128xi32, #tpu.memory_space<vmem>>, vector<16xi32>,
    %swap3A_120 = vector.shape_cast %swap3A_119 : vector<16xi32> to vector<16xi32>
    %swap3A_121 = vector.shape_cast %get3A_117 : vector<16xi32> to vector<16xi32>
    tpu.vector_store %arg6[%swap3A_118], %swap3A_121 {strides = array<i32>} : memref<128xi32, #tpu.memory_space<vmem>>, vector<16xi32>,
    %get3A_122 = arith.constant 1 : i32
    %get3A_123 = arith.index_cast %get3A_122 : i32 to index
    %get3A_124 = arith.constant 48 : index
    %get3A_125 = tpu.vector_load %arg4[%get3A_123, %get3A_124] {strides = array<i32>} : memref<40x128xi32, #tpu.memory_space<vmem>>, vector<1x16xi32>,
    %get3A_126 = vector.shape_cast %get3A_125 : vector<1x16xi32> to vector<16xi32>
    %swap3A_127 = arith.constant 48 : index
    %swap3A_128 = tpu.vector_load %arg6[%swap3A_127] {strides = array<i32>} : memref<128xi32, #tpu.memory_space<vmem>>, vector<16xi32>,
    %swap3A_129 = vector.shape_cast %swap3A_128 : vector<16xi32> to vector<16xi32>
    %swap3A_130 = vector.shape_cast %get3A_126 : vector<16xi32> to vector<16xi32>
    tpu.vector_store %arg6[%swap3A_127], %swap3A_130 {strides = array<i32>} : memref<128xi32, #tpu.memory_space<vmem>>, vector<16xi32>,
    %get3A_131 = arith.constant 1 : i32
    %get3A_132 = arith.index_cast %get3A_131 : i32 to index
    %get3A_133 = arith.constant 64 : index
    %get3A_134 = tpu.vector_load %arg4[%get3A_132, %get3A_133] {strides = array<i32>} : memref<40x128xi32, #tpu.memory_space<vmem>>, vector<1x16xi32>,
    %get3A_135 = vector.shape_cast %get3A_134 : vector<1x16xi32> to vector<16xi32>
    %swap3A_136 = arith.constant 64 : index
    %swap3A_137 = tpu.vector_load %arg6[%swap3A_136] {strides = array<i32>} : memref<128xi32, #tpu.memory_space<vmem>>, vector<16xi32>,
    %swap3A_138 = vector.shape_cast %swap3A_137 : vector<16xi32> to vector<16xi32>
    %swap3A_139 = vector.shape_cast %get3A_135 : vector<16xi32> to vector<16xi32>
    tpu.vector_store %arg6[%swap3A_136], %swap3A_139 {strides = array<i32>} : memref<128xi32, #tpu.memory_space<vmem>>, vector<16xi32>,
    %get3A_140 = arith.constant 1 : i32
    %get3A_141 = arith.index_cast %get3A_140 : i32 to index
    %get3A_142 = arith.constant 80 : index
    %get3A_143 = tpu.vector_load %arg4[%get3A_141, %get3A_142] {strides = array<i32>} : memref<40x128xi32, #tpu.memory_space<vmem>>, vector<1x16xi32>,
    %get3A_144 = vector.shape_cast %get3A_143 : vector<1x16xi32> to vector<16xi32>
    %swap3A_145 = arith.constant 80 : index
    %swap3A_146 = tpu.vector_load %arg6[%swap3A_145] {strides = array<i32>} : memref<128xi32, #tpu.memory_space<vmem>>, vector<16xi32>,
    %swap3A_147 = vector.shape_cast %swap3A_146 : vector<16xi32> to vector<16xi32>
    %swap3A_148 = vector.shape_cast %get3A_144 : vector<16xi32> to vector<16xi32>
    tpu.vector_store %arg6[%swap3A_145], %swap3A_148 {strides = array<i32>} : memref<128xi32, #tpu.memory_space<vmem>>, vector<16xi32>,
    %get3A_149 = arith.constant 1 : i32
    %get3A_150 = arith.index_cast %get3A_149 : i32 to index
    %get3A_151 = arith.constant 96 : index
    %get3A_152 = tpu.vector_load %arg4[%get3A_150, %get3A_151] {strides = array<i32>} : memref<40x128xi32, #tpu.memory_space<vmem>>, vector<1x16xi32>,
    %get3A_153 = vector.shape_cast %get3A_152 : vector<1x16xi32> to vector<16xi32>
    %swap3A_154 = arith.constant 96 : index
    %swap3A_155 = tpu.vector_load %arg6[%swap3A_154] {strides = array<i32>} : memref<128xi32, #tpu.memory_space<vmem>>, vector<16xi32>,
    %swap3A_156 = vector.shape_cast %swap3A_155 : vector<16xi32> to vector<16xi32>
    %swap3A_157 = vector.shape_cast %get3A_153 : vector<16xi32> to vector<16xi32>
    tpu.vector_store %arg6[%swap3A_154], %swap3A_157 {strides = array<i32>} : memref<128xi32, #tpu.memory_space<vmem>>, vector<16xi32>,
    %get3A_158 = arith.constant 1 : i32
    %get3A_159 = arith.index_cast %get3A_158 : i32 to index
    %get3A_160 = arith.constant 112 : index
    %get3A_161 = tpu.vector_load %arg4[%get3A_159, %get3A_160] {strides = array<i32>} : memref<40x128xi32, #tpu.memory_space<vmem>>, vector<1x16xi32>,
    %get3A_162 = vector.shape_cast %get3A_161 : vector<1x16xi32> to vector<16xi32>
    %swap3A_163 = arith.constant 112 : index
    %swap3A_164 = tpu.vector_load %arg6[%swap3A_163] {strides = array<i32>} : memref<128xi32, #tpu.memory_space<vmem>>, vector<16xi32>,
    %swap3A_165 = vector.shape_cast %swap3A_164 : vector<16xi32> to vector<16xi32>
    %swap3A_166 = vector.shape_cast %get3A_162 : vector<16xi32> to vector<16xi32>
    tpu.vector_store %arg6[%swap3A_163], %swap3A_166 {strides = array<i32>} : memref<128xi32, #tpu.memory_space<vmem>>, vector<16xi32>,
    %dma_start3A_167 = arith.constant 0 : i32
    %dma_start3A_168 = arith.constant 0 : i32
    %dma_start3A_169 = tpu.memref_slice %arg11[%dma_start3A_167, %dma_start3A_168] : memref<10240x128xf32, #tpu.memory_space<vmem_shared>> -> memref<10240x128xf32, #tpu.memory_space<vmem_shared>>
    tpu.enqueue_indirect_dma source(%arg9 : memref<128x128xf32, #tpu.memory_space<vmem>>) target(%dma_start3A_169 : memref<10240x128xf32, #tpu.memory_space<vmem_shared>>) offsets(%arg6 : memref<128xi32, #tpu.memory_space<vmem>>) semaphore(%arg14 : memref<!tpu.dma_semaphore, #tpu.memory_space<semaphore_mem>>) {add = true}
    %get3A_170 = arith.constant 2 : i32
    %get3A_171 = arith.index_cast %get3A_170 : i32 to index
    %get3A_172 = arith.constant 0 : index
    %get3A_173 = tpu.vector_load %arg4[%get3A_171, %get3A_172] {strides = array<i32>} : memref<40x128xi32, #tpu.memory_space<vmem>>, vector<1x16xi32>,
    %get3A_174 = vector.shape_cast %get3A_173 : vector<1x16xi32> to vector<16xi32>
    %swap3A_175 = arith.constant 0 : index
    %swap3A_176 = tpu.vector_load %arg7[%swap3A_175] {strides = array<i32>} : memref<128xi32, #tpu.memory_space<vmem>>, vector<16xi32>,
    %swap3A_177 = vector.shape_cast %swap3A_176 : vector<16xi32> to vector<16xi32>
    %swap3A_178 = vector.shape_cast %get3A_174 : vector<16xi32> to vector<16xi32>
    tpu.vector_store %arg7[%swap3A_175], %swap3A_178 {strides = array<i32>} : memref<128xi32, #tpu.memory_space<vmem>>, vector<16xi32>,
    %get3A_179 = arith.constant 2 : i32
    %get3A_180 = arith.index_cast %get3A_179 : i32 to index
    %get3A_181 = arith.constant 16 : index
    %get3A_182 = tpu.vector_load %arg4[%get3A_180, %get3A_181] {strides = array<i32>} : memref<40x128xi32, #tpu.memory_space<vmem>>, vector<1x16xi32>,
    %get3A_183 = vector.shape_cast %get3A_182 : vector<1x16xi32> to vector<16xi32>
    %swap3A_184 = arith.constant 16 : index
    %swap3A_185 = tpu.vector_load %arg7[%swap3A_184] {strides = array<i32>} : memref<128xi32, #tpu.memory_space<vmem>>, vector<16xi32>,
    %swap3A_186 = vector.shape_cast %swap3A_185 : vector<16xi32> to vector<16xi32>
    %swap3A_187 = vector.shape_cast %get3A_183 : vector<16xi32> to vector<16xi32>
    tpu.vector_store %arg7[%swap3A_184], %swap3A_187 {strides = array<i32>} : memref<128xi32, #tpu.memory_space<vmem>>, vector<16xi32>,
    %get3A_188 = arith.constant 2 : i32
    %get3A_189 = arith.index_cast %get3A_188 : i32 to index
    %get3A_190 = arith.constant 32 : index
    %get3A_191 = tpu.vector_load %arg4[%get3A_189, %get3A_190] {strides = array<i32>} : memref<40x128xi32, #tpu.memory_space<vmem>>, vector<1x16xi32>,
    %get3A_192 = vector.shape_cast %get3A_191 : vector<1x16xi32> to vector<16xi32>
    %swap3A_193 = arith.constant 32 : index
    %swap3A_194 = tpu.vector_load %arg7[%swap3A_193] {strides = array<i32>} : memref<128xi32, #tpu.memory_space<vmem>>, vector<16xi32>,
    %swap3A_195 = vector.shape_cast %swap3A_194 : vector<16xi32> to vector<16xi32>
    %swap3A_196 = vector.shape_cast %get3A_192 : vector<16xi32> to vector<16xi32>
    tpu.vector_store %arg7[%swap3A_193], %swap3A_196 {strides = array<i32>} : memref<128xi32, #tpu.memory_space<vmem>>, vector<16xi32>,
    %get3A_197 = arith.constant 2 : i32
    %get3A_198 = arith.index_cast %get3A_197 : i32 to index
    %get3A_199 = arith.constant 48 : index
    %get3A_200 = tpu.vector_load %arg4[%get3A_198, %get3A_199] {strides = array<i32>} : memref<40x128xi32, #tpu.memory_space<vmem>>, vector<1x16xi32>,
    %get3A_201 = vector.shape_cast %get3A_200 : vector<1x16xi32> to vector<16xi32>
    %swap3A_202 = arith.constant 48 : index
    %swap3A_203 = tpu.vector_load %arg7[%swap3A_202] {strides = array<i32>} : memref<128xi32, #tpu.memory_space<vmem>>, vector<16xi32>,
    %swap3A_204 = vector.shape_cast %swap3A_203 : vector<16xi32> to vector<16xi32>
    %swap3A_205 = vector.shape_cast %get3A_201 : vector<16xi32> to vector<16xi32>
    tpu.vector_store %arg7[%swap3A_202], %swap3A_205 {strides = array<i32>} : memref<128xi32, #tpu.memory_space<vmem>>, vector<16xi32>,
    %get3A_206 = arith.constant 2 : i32
    %get3A_207 = arith.index_cast %get3A_206 : i32 to index
    %get3A_208 = arith.constant 64 : index
    %get3A_209 = tpu.vector_load %arg4[%get3A_207, %get3A_208] {strides = array<i32>} : memref<40x128xi32, #tpu.memory_space<vmem>>, vector<1x16xi32>,
    %get3A_210 = vector.shape_cast %get3A_209 : vector<1x16xi32> to vector<16xi32>
    %swap3A_211 = arith.constant 64 : index
    %swap3A_212 = tpu.vector_load %arg7[%swap3A_211] {strides = array<i32>} : memref<128xi32, #tpu.memory_space<vmem>>, vector<16xi32>,
    %swap3A_213 = vector.shape_cast %swap3A_212 : vector<16xi32> to vector<16xi32>
    %swap3A_214 = vector.shape_cast %get3A_210 : vector<16xi32> to vector<16xi32>
    tpu.vector_store %arg7[%swap3A_211], %swap3A_214 {strides = array<i32>} : memref<128xi32, #tpu.memory_space<vmem>>, vector<16xi32>,
    %get3A_215 = arith.constant 2 : i32
    %get3A_216 = arith.index_cast %get3A_215 : i32 to index
    %get3A_217 = arith.constant 80 : index
    %get3A_218 = tpu.vector_load %arg4[%get3A_216, %get3A_217] {strides = array<i32>} : memref<40x128xi32, #tpu.memory_space<vmem>>, vector<1x16xi32>,
    %get3A_219 = vector.shape_cast %get3A_218 : vector<1x16xi32> to vector<16xi32>
    %swap3A_220 = arith.constant 80 : index
    %swap3A_221 = tpu.vector_load %arg7[%swap3A_220] {strides = array<i32>} : memref<128xi32, #tpu.memory_space<vmem>>, vector<16xi32>,
    %swap3A_222 = vector.shape_cast %swap3A_221 : vector<16xi32> to vector<16xi32>
    %swap3A_223 = vector.shape_cast %get3A_219 : vector<16xi32> to vector<16xi32>
    tpu.vector_store %arg7[%swap3A_220], %swap3A_223 {strides = array<i32>} : memref<128xi32, #tpu.memory_space<vmem>>, vector<16xi32>,
    %get3A_224 = arith.constant 2 : i32
    %get3A_225 = arith.index_cast %get3A_224 : i32 to index
    %get3A_226 = arith.constant 96 : index
    %get3A_227 = tpu.vector_load %arg4[%get3A_225, %get3A_226] {strides = array<i32>} : memref<40x128xi32, #tpu.memory_space<vmem>>, vector<1x16xi32>,
    %get3A_228 = vector.shape_cast %get3A_227 : vector<1x16xi32> to vector<16xi32>
    %swap3A_229 = arith.constant 96 : index
    %swap3A_230 = tpu.vector_load %arg7[%swap3A_229] {strides = array<i32>} : memref<128xi32, #tpu.memory_space<vmem>>, vector<16xi32>,
    %swap3A_231 = vector.shape_cast %swap3A_230 : vector<16xi32> to vector<16xi32>
    %swap3A_232 = vector.shape_cast %get3A_228 : vector<16xi32> to vector<16xi32>
    tpu.vector_store %arg7[%swap3A_229], %swap3A_232 {strides = array<i32>} : memref<128xi32, #tpu.memory_space<vmem>>, vector<16xi32>,
    %get3A_233 = arith.constant 2 : i32
    %get3A_234 = arith.index_cast %get3A_233 : i32 to index
    %get3A_235 = arith.constant 112 : index
    %get3A_236 = tpu.vector_load %arg4[%get3A_234, %get3A_235] {strides = array<i32>} : memref<40x128xi32, #tpu.memory_space<vmem>>, vector<1x16xi32>,
    %get3A_237 = vector.shape_cast %get3A_236 : vector<1x16xi32> to vector<16xi32>
    %swap3A_238 = arith.constant 112 : index
    %swap3A_239 = tpu.vector_load %arg7[%swap3A_238] {strides = array<i32>} : memref<128xi32, #tpu.memory_space<vmem>>, vector<16xi32>,
    %swap3A_240 = vector.shape_cast %swap3A_239 : vector<16xi32> to vector<16xi32>
    %swap3A_241 = vector.shape_cast %get3A_237 : vector<16xi32> to vector<16xi32>
    tpu.vector_store %arg7[%swap3A_238], %swap3A_241 {strides = array<i32>} : memref<128xi32, #tpu.memory_space<vmem>>, vector<16xi32>,
    %dma_start3A_242 = arith.constant 0 : i32
    %dma_start3A_243 = arith.constant 0 : i32
    %dma_start3A_244 = tpu.memref_slice %arg11[%dma_start3A_242, %dma_start3A_243] : memref<10240x128xf32, #tpu.memory_space<vmem_shared>> -> memref<10240x128xf32, #tpu.memory_space<vmem_shared>>
    tpu.enqueue_indirect_dma source(%arg9 : memref<128x128xf32, #tpu.memory_space<vmem>>) target(%dma_start3A_244 : memref<10240x128xf32, #tpu.memory_space<vmem_shared>>) offsets(%arg7 : memref<128xi32, #tpu.memory_space<vmem>>) semaphore(%arg15 : memref<!tpu.dma_semaphore, #tpu.memory_space<semaphore_mem>>) {add = true}
    %get3A_245 = arith.constant 3 : i32
    %get3A_246 = arith.index_cast %get3A_245 : i32 to index
    %get3A_247 = arith.constant 0 : index
    %get3A_248 = tpu.vector_load %arg4[%get3A_246, %get3A_247] {strides = array<i32>} : memref<40x128xi32, #tpu.memory_space<vmem>>, vector<1x16xi32>,
    %get3A_249 = vector.shape_cast %get3A_248 : vector<1x16xi32> to vector<16xi32>
    %swap3A_250 = arith.constant 0 : index
    %swap3A_251 = tpu.vector_load %arg8[%swap3A_250] {strides = array<i32>} : memref<128xi32, #tpu.memory_space<vmem>>, vector<16xi32>,
    %swap3A_252 = vector.shape_cast %swap3A_251 : vector<16xi32> to vector<16xi32>
    %swap3A_253 = vector.shape_cast %get3A_249 : vector<16xi32> to vector<16xi32>
    tpu.vector_store %arg8[%swap3A_250], %swap3A_253 {strides = array<i32>} : memref<128xi32, #tpu.memory_space<vmem>>, vector<16xi32>,
    %get3A_254 = arith.constant 3 : i32
    %get3A_255 = arith.index_cast %get3A_254 : i32 to index
    %get3A_256 = arith.constant 16 : index
    %get3A_257 = tpu.vector_load %arg4[%get3A_255, %get3A_256] {strides = array<i32>} : memref<40x128xi32, #tpu.memory_space<vmem>>, vector<1x16xi32>,
    %get3A_258 = vector.shape_cast %get3A_257 : vector<1x16xi32> to vector<16xi32>
    %swap3A_259 = arith.constant 16 : index
    %swap3A_260 = tpu.vector_load %arg8[%swap3A_259] {strides = array<i32>} : memref<128xi32, #tpu.memory_space<vmem>>, vector<16xi32>,
    %swap3A_261 = vector.shape_cast %swap3A_260 : vector<16xi32> to vector<16xi32>
    %swap3A_262 = vector.shape_cast %get3A_258 : vector<16xi32> to vector<16xi32>
    tpu.vector_store %arg8[%swap3A_259], %swap3A_262 {strides = array<i32>} : memref<128xi32, #tpu.memory_space<vmem>>, vector<16xi32>,
    %get3A_263 = arith.constant 3 : i32
    %get3A_264 = arith.index_cast %get3A_263 : i32 to index
    %get3A_265 = arith.constant 32 : index
    %get3A_266 = tpu.vector_load %arg4[%get3A_264, %get3A_265] {strides = array<i32>} : memref<40x128xi32, #tpu.memory_space<vmem>>, vector<1x16xi32>,
    %get3A_267 = vector.shape_cast %get3A_266 : vector<1x16xi32> to vector<16xi32>
    %swap3A_268 = arith.constant 32 : index
    %swap3A_269 = tpu.vector_load %arg8[%swap3A_268] {strides = array<i32>} : memref<128xi32, #tpu.memory_space<vmem>>, vector<16xi32>,
    %swap3A_270 = vector.shape_cast %swap3A_269 : vector<16xi32> to vector<16xi32>
    %swap3A_271 = vector.shape_cast %get3A_267 : vector<16xi32> to vector<16xi32>
    tpu.vector_store %arg8[%swap3A_268], %swap3A_271 {strides = array<i32>} : memref<128xi32, #tpu.memory_space<vmem>>, vector<16xi32>,
    %get3A_272 = arith.constant 3 : i32
    %get3A_273 = arith.index_cast %get3A_272 : i32 to index
    %get3A_274 = arith.constant 48 : index
    %get3A_275 = tpu.vector_load %arg4[%get3A_273, %get3A_274] {strides = array<i32>} : memref<40x128xi32, #tpu.memory_space<vmem>>, vector<1x16xi32>,
    %get3A_276 = vector.shape_cast %get3A_275 : vector<1x16xi32> to vector<16xi32>
    %swap3A_277 = arith.constant 48 : index
    %swap3A_278 = tpu.vector_load %arg8[%swap3A_277] {strides = array<i32>} : memref<128xi32, #tpu.memory_space<vmem>>, vector<16xi32>,
    %swap3A_279 = vector.shape_cast %swap3A_278 : vector<16xi32> to vector<16xi32>
    %swap3A_280 = vector.shape_cast %get3A_276 : vector<16xi32> to vector<16xi32>
    tpu.vector_store %arg8[%swap3A_277], %swap3A_280 {strides = array<i32>} : memref<128xi32, #tpu.memory_space<vmem>>, vector<16xi32>,
    %get3A_281 = arith.constant 3 : i32
    %get3A_282 = arith.index_cast %get3A_281 : i32 to index
    %get3A_283 = arith.constant 64 : index
    %get3A_284 = tpu.vector_load %arg4[%get3A_282, %get3A_283] {strides = array<i32>} : memref<40x128xi32, #tpu.memory_space<vmem>>, vector<1x16xi32>,
    %get3A_285 = vector.shape_cast %get3A_284 : vector<1x16xi32> to vector<16xi32>
    %swap3A_286 = arith.constant 64 : index
    %swap3A_287 = tpu.vector_load %arg8[%swap3A_286] {strides = array<i32>} : memref<128xi32, #tpu.memory_space<vmem>>, vector<16xi32>,
    %swap3A_288 = vector.shape_cast %swap3A_287 : vector<16xi32> to vector<16xi32>
    %swap3A_289 = vector.shape_cast %get3A_285 : vector<16xi32> to vector<16xi32>
    tpu.vector_store %arg8[%swap3A_286], %swap3A_289 {strides = array<i32>} : memref<128xi32, #tpu.memory_space<vmem>>, vector<16xi32>,
    %get3A_290 = arith.constant 3 : i32
    %get3A_291 = arith.index_cast %get3A_290 : i32 to index
    %get3A_292 = arith.constant 80 : index
    %get3A_293 = tpu.vector_load %arg4[%get3A_291, %get3A_292] {strides = array<i32>} : memref<40x128xi32, #tpu.memory_space<vmem>>, vector<1x16xi32>,
    %get3A_294 = vector.shape_cast %get3A_293 : vector<1x16xi32> to vector<16xi32>
    %swap3A_295 = arith.constant 80 : index
    %swap3A_296 = tpu.vector_load %arg8[%swap3A_295] {strides = array<i32>} : memref<128xi32, #tpu.memory_space<vmem>>, vector<16xi32>,
    %swap3A_297 = vector.shape_cast %swap3A_296 : vector<16xi32> to vector<16xi32>
    %swap3A_298 = vector.shape_cast %get3A_294 : vector<16xi32> to vector<16xi32>
    tpu.vector_store %arg8[%swap3A_295], %swap3A_298 {strides = array<i32>} : memref<128xi32, #tpu.memory_space<vmem>>, vector<16xi32>,
    %get3A_299 = arith.constant 3 : i32
    %get3A_300 = arith.index_cast %get3A_299 : i32 to index
    %get3A_301 = arith.constant 96 : index
    %get3A_302 = tpu.vector_load %arg4[%get3A_300, %get3A_301] {strides = array<i32>} : memref<40x128xi32, #tpu.memory_space<vmem>>, vector<1x16xi32>,
    %get3A_303 = vector.shape_cast %get3A_302 : vector<1x16xi32> to vector<16xi32>
    %swap3A_304 = arith.constant 96 : index
    %swap3A_305 = tpu.vector_load %arg8[%swap3A_304] {strides = array<i32>} : memref<128xi32, #tpu.memory_space<vmem>>, vector<16xi32>,
    %swap3A_306 = vector.shape_cast %swap3A_305 : vector<16xi32> to vector<16xi32>
    %swap3A_307 = vector.shape_cast %get3A_303 : vector<16xi32> to vector<16xi32>
    tpu.vector_store %arg8[%swap3A_304], %swap3A_307 {strides = array<i32>} : memref<128xi32, #tpu.memory_space<vmem>>, vector<16xi32>,
    %get3A_308 = arith.constant 3 : i32
    %get3A_309 = arith.index_cast %get3A_308 : i32 to index
    %get3A_310 = arith.constant 112 : index
    %get3A_311 = tpu.vector_load %arg4[%get3A_309, %get3A_310] {strides = array<i32>} : memref<40x128xi32, #tpu.memory_space<vmem>>, vector<1x16xi32>,
    %get3A_312 = vector.shape_cast %get3A_311 : vector<1x16xi32> to vector<16xi32>
    %swap3A_313 = arith.constant 112 : index
    %swap3A_314 = tpu.vector_load %arg8[%swap3A_313] {strides = array<i32>} : memref<128xi32, #tpu.memory_space<vmem>>, vector<16xi32>,
    %swap3A_315 = vector.shape_cast %swap3A_314 : vector<16xi32> to vector<16xi32>
    %swap3A_316 = vector.shape_cast %get3A_312 : vector<16xi32> to vector<16xi32>
    tpu.vector_store %arg8[%swap3A_313], %swap3A_316 {strides = array<i32>} : memref<128xi32, #tpu.memory_space<vmem>>, vector<16xi32>,
    %dma_start3A_317 = arith.constant 0 : i32
    %dma_start3A_318 = arith.constant 0 : i32
    %dma_start3A_319 = tpu.memref_slice %arg11[%dma_start3A_317, %dma_start3A_318] : memref<10240x128xf32, #tpu.memory_space<vmem_shared>> -> memref<10240x128xf32, #tpu.memory_space<vmem_shared>>
    tpu.enqueue_indirect_dma source(%arg9 : memref<128x128xf32, #tpu.memory_space<vmem>>) target(%dma_start3A_319 : memref<10240x128xf32, #tpu.memory_space<vmem_shared>>) offsets(%arg8 : memref<128xi32, #tpu.memory_space<vmem>>) semaphore(%arg16 : memref<!tpu.dma_semaphore, #tpu.memory_space<semaphore_mem>>) {add = true}
    %scan3A_320 = arith.constant 0 : i32
    %scan3A_321 = arith.constant 10 : i32
    %scan3A_322 = arith.addi %scan3A_320, %scan3A_321 : i32
    %scan3A_323 = arith.constant 1 : i32
    scf.for %scan3A_338 = %scan3A_320 to %scan3A_322 step %scan3A_323  : i32 {
      %mul3A_339 = arith.constant 1 : i32
      %mul3A_340 = arith.muli %scan3A_338, %mul3A_339 : i32
      %add3A_341 = arith.constant 0 : i32
      %add3A_342 = arith.addi %add3A_341, %mul3A_340 : i32
      %lt3A = arith.constant 9 : i32
      %lt3A_343 = arith.cmpi slt, %add3A_342, %lt3A : i32
      %convert_element_type3A_344 = arith.extui %lt3A_343 : i1 to i32
      %cond3A_345 = arith.constant 0 : i32
      %cond3A_346 = arith.cmpi ne, %convert_element_type3A_344, %cond3A_345 : i32
      scf.if %cond3A_346 {
        %dma_wait3A_347 = arith.constant 0 : i32
        %dma_wait3A_348 = arith.constant 0 : i32
        %dma_wait3A_349 = tpu.memref_slice %arg11[%dma_wait3A_347, %dma_wait3A_348] : memref<10240x128xf32, #tpu.memory_space<vmem_shared>> -> memref<10240x128xf32, #tpu.memory_space<vmem_shared>>
        tpu.wait_indirect_dma semaphore(%arg13 : memref<!tpu.dma_semaphore, #tpu.memory_space<semaphore_mem>>) src(%arg9 : memref<128x128xf32, #tpu.memory_space<vmem>>) dst(%dma_wait3A_349 : memref<10240x128xf32, #tpu.memory_space<vmem_shared>>)
        %mul3A_350 = arith.constant 4 : i32
        %mul3A_351 = arith.muli %mul3A_350, %add3A_342 : i32
        %add3A_352 = arith.constant 4 : i32
        %add3A_353 = arith.addi %mul3A_351, %add3A_352 : i32
        %add3A_354 = arith.constant 0 : i32
        %add3A_355 = arith.addi %add3A_353, %add3A_354 : i32
        %get3A_356 = arith.index_cast %add3A_355 : i32 to index
        %get3A_357 = arith.constant 0 : index
        %get3A_358 = tpu.vector_load %arg4[%get3A_356, %get3A_357] {strides = array<i32>} : memref<40x128xi32, #tpu.memory_space<vmem>>, vector<1x16xi32>,
        %get3A_359 = vector.shape_cast %get3A_358 : vector<1x16xi32> to vector<16xi32>
        %swap3A_360 = arith.constant 0 : index
        %swap3A_361 = tpu.vector_load %arg5[%swap3A_360] {strides = array<i32>} : memref<128xi32, #tpu.memory_space<vmem>>, vector<16xi32>,
        %swap3A_362 = vector.shape_cast %swap3A_361 : vector<16xi32> to vector<16xi32>
        %swap3A_363 = vector.shape_cast %get3A_359 : vector<16xi32> to vector<16xi32>
        tpu.vector_store %arg5[%swap3A_360], %swap3A_363 {strides = array<i32>} : memref<128xi32, #tpu.memory_space<vmem>>, vector<16xi32>,
        %get3A_364 = arith.index_cast %add3A_355 : i32 to index
        %get3A_365 = arith.constant 16 : index
        %get3A_366 = tpu.vector_load %arg4[%get3A_364, %get3A_365] {strides = array<i32>} : memref<40x128xi32, #tpu.memory_space<vmem>>, vector<1x16xi32>,
        %get3A_367 = vector.shape_cast %get3A_366 : vector<1x16xi32> to vector<16xi32>
        %swap3A_368 = arith.constant 16 : index
        %swap3A_369 = tpu.vector_load %arg5[%swap3A_368] {strides = array<i32>} : memref<128xi32, #tpu.memory_space<vmem>>, vector<16xi32>,
        %swap3A_370 = vector.shape_cast %swap3A_369 : vector<16xi32> to vector<16xi32>
        %swap3A_371 = vector.shape_cast %get3A_367 : vector<16xi32> to vector<16xi32>
        tpu.vector_store %arg5[%swap3A_368], %swap3A_371 {strides = array<i32>} : memref<128xi32, #tpu.memory_space<vmem>>, vector<16xi32>,
        %get3A_372 = arith.index_cast %add3A_355 : i32 to index
        %get3A_373 = arith.constant 32 : index
        %get3A_374 = tpu.vector_load %arg4[%get3A_372, %get3A_373] {strides = array<i32>} : memref<40x128xi32, #tpu.memory_space<vmem>>, vector<1x16xi32>,
        %get3A_375 = vector.shape_cast %get3A_374 : vector<1x16xi32> to vector<16xi32>
        %swap3A_376 = arith.constant 32 : index
        %swap3A_377 = tpu.vector_load %arg5[%swap3A_376] {strides = array<i32>} : memref<128xi32, #tpu.memory_space<vmem>>, vector<16xi32>,
        %swap3A_378 = vector.shape_cast %swap3A_377 : vector<16xi32> to vector<16xi32>
        %swap3A_379 = vector.shape_cast %get3A_375 : vector<16xi32> to vector<16xi32>
        tpu.vector_store %arg5[%swap3A_376], %swap3A_379 {strides = array<i32>} : memref<128xi32, #tpu.memory_space<vmem>>, vector<16xi32>,
        %get3A_380 = arith.index_cast %add3A_355 : i32 to index
        %get3A_381 = arith.constant 48 : index
        %get3A_382 = tpu.vector_load %arg4[%get3A_380, %get3A_381] {strides = array<i32>} : memref<40x128xi32, #tpu.memory_space<vmem>>, vector<1x16xi32>,
        %get3A_383 = vector.shape_cast %get3A_382 : vector<1x16xi32> to vector<16xi32>
        %swap3A_384 = arith.constant 48 : index
        %swap3A_385 = tpu.vector_load %arg5[%swap3A_384] {strides = array<i32>} : memref<128xi32, #tpu.memory_space<vmem>>, vector<16xi32>,
        %swap3A_386 = vector.shape_cast %swap3A_385 : vector<16xi32> to vector<16xi32>
        %swap3A_387 = vector.shape_cast %get3A_383 : vector<16xi32> to vector<16xi32>
        tpu.vector_store %arg5[%swap3A_384], %swap3A_387 {strides = array<i32>} : memref<128xi32, #tpu.memory_space<vmem>>, vector<16xi32>,
        %get3A_388 = arith.index_cast %add3A_355 : i32 to index
        %get3A_389 = arith.constant 64 : index
        %get3A_390 = tpu.vector_load %arg4[%get3A_388, %get3A_389] {strides = array<i32>} : memref<40x128xi32, #tpu.memory_space<vmem>>, vector<1x16xi32>,
        %get3A_391 = vector.shape_cast %get3A_390 : vector<1x16xi32> to vector<16xi32>
        %swap3A_392 = arith.constant 64 : index
        %swap3A_393 = tpu.vector_load %arg5[%swap3A_392] {strides = array<i32>} : memref<128xi32, #tpu.memory_space<vmem>>, vector<16xi32>,
        %swap3A_394 = vector.shape_cast %swap3A_393 : vector<16xi32> to vector<16xi32>
        %swap3A_395 = vector.shape_cast %get3A_391 : vector<16xi32> to vector<16xi32>
        tpu.vector_store %arg5[%swap3A_392], %swap3A_395 {strides = array<i32>} : memref<128xi32, #tpu.memory_space<vmem>>, vector<16xi32>,
        %get3A_396 = arith.index_cast %add3A_355 : i32 to index
        %get3A_397 = arith.constant 80 : index
        %get3A_398 = tpu.vector_load %arg4[%get3A_396, %get3A_397] {strides = array<i32>} : memref<40x128xi32, #tpu.memory_space<vmem>>, vector<1x16xi32>,
        %get3A_399 = vector.shape_cast %get3A_398 : vector<1x16xi32> to vector<16xi32>
        %swap3A_400 = arith.constant 80 : index
        %swap3A_401 = tpu.vector_load %arg5[%swap3A_400] {strides = array<i32>} : memref<128xi32, #tpu.memory_space<vmem>>, vector<16xi32>,
        %swap3A_402 = vector.shape_cast %swap3A_401 : vector<16xi32> to vector<16xi32>
        %swap3A_403 = vector.shape_cast %get3A_399 : vector<16xi32> to vector<16xi32>
        tpu.vector_store %arg5[%swap3A_400], %swap3A_403 {strides = array<i32>} : memref<128xi32, #tpu.memory_space<vmem>>, vector<16xi32>,
        %get3A_404 = arith.index_cast %add3A_355 : i32 to index
        %get3A_405 = arith.constant 96 : index
        %get3A_406 = tpu.vector_load %arg4[%get3A_404, %get3A_405] {strides = array<i32>} : memref<40x128xi32, #tpu.memory_space<vmem>>, vector<1x16xi32>,
        %get3A_407 = vector.shape_cast %get3A_406 : vector<1x16xi32> to vector<16xi32>
        %swap3A_408 = arith.constant 96 : index
        %swap3A_409 = tpu.vector_load %arg5[%swap3A_408] {strides = array<i32>} : memref<128xi32, #tpu.memory_space<vmem>>, vector<16xi32>,
        %swap3A_410 = vector.shape_cast %swap3A_409 : vector<16xi32> to vector<16xi32>
        %swap3A_411 = vector.shape_cast %get3A_407 : vector<16xi32> to vector<16xi32>
        tpu.vector_store %arg5[%swap3A_408], %swap3A_411 {strides = array<i32>} : memref<128xi32, #tpu.memory_space<vmem>>, vector<16xi32>,
        %get3A_412 = arith.index_cast %add3A_355 : i32 to index
        %get3A_413 = arith.constant 112 : index
        %get3A_414 = tpu.vector_load %arg4[%get3A_412, %get3A_413] {strides = array<i32>} : memref<40x128xi32, #tpu.memory_space<vmem>>, vector<1x16xi32>,
        %get3A_415 = vector.shape_cast %get3A_414 : vector<1x16xi32> to vector<16xi32>
        %swap3A_416 = arith.constant 112 : index
        %swap3A_417 = tpu.vector_load %arg5[%swap3A_416] {strides = array<i32>} : memref<128xi32, #tpu.memory_space<vmem>>, vector<16xi32>,
        %swap3A_418 = vector.shape_cast %swap3A_417 : vector<16xi32> to vector<16xi32>
        %swap3A_419 = vector.shape_cast %get3A_415 : vector<16xi32> to vector<16xi32>
        tpu.vector_store %arg5[%swap3A_416], %swap3A_419 {strides = array<i32>} : memref<128xi32, #tpu.memory_space<vmem>>, vector<16xi32>,
        %dma_start3A_420 = arith.constant 0 : i32
        %dma_start3A_421 = arith.constant 0 : i32
        %dma_start3A_422 = tpu.memref_slice %arg11[%dma_start3A_420, %dma_start3A_421] : memref<10240x128xf32, #tpu.memory_space<vmem_shared>> -> memref<10240x128xf32, #tpu.memory_space<vmem_shared>>
        tpu.enqueue_indirect_dma source(%arg9 : memref<128x128xf32, #tpu.memory_space<vmem>>) target(%dma_start3A_422 : memref<10240x128xf32, #tpu.memory_space<vmem_shared>>) offsets(%arg5 : memref<128xi32, #tpu.memory_space<vmem>>) semaphore(%arg13 : memref<!tpu.dma_semaphore, #tpu.memory_space<semaphore_mem>>) {add = true}
        %dma_wait3A_423 = arith.constant 0 : i32
        %dma_wait3A_424 = arith.constant 0 : i32
        %dma_wait3A_425 = tpu.memref_slice %arg11[%dma_wait3A_423, %dma_wait3A_424] : memref<10240x128xf32, #tpu.memory_space<vmem_shared>> -> memref<10240x128xf32, #tpu.memory_space<vmem_shared>>
        tpu.wait_indirect_dma semaphore(%arg14 : memref<!tpu.dma_semaphore, #tpu.memory_space<semaphore_mem>>) src(%arg9 : memref<128x128xf32, #tpu.memory_space<vmem>>) dst(%dma_wait3A_425 : memref<10240x128xf32, #tpu.memory_space<vmem_shared>>)
        %mul3A_426 = arith.constant 4 : i32
        %mul3A_427 = arith.muli %mul3A_426, %add3A_342 : i32
        %add3A_428 = arith.constant 4 : i32
        %add3A_429 = arith.addi %mul3A_427, %add3A_428 : i32
        %add3A_430 = arith.constant 1 : i32
        %add3A_431 = arith.addi %add3A_429, %add3A_430 : i32
        %get3A_432 = arith.index_cast %add3A_431 : i32 to index
        %get3A_433 = arith.constant 0 : index
        %get3A_434 = tpu.vector_load %arg4[%get3A_432, %get3A_433] {strides = array<i32>} : memref<40x128xi32, #tpu.memory_space<vmem>>, vector<1x16xi32>,
        %get3A_435 = vector.shape_cast %get3A_434 : vector<1x16xi32> to vector<16xi32>
        %swap3A_436 = arith.constant 0 : index
        %swap3A_437 = tpu.vector_load %arg6[%swap3A_436] {strides = array<i32>} : memref<128xi32, #tpu.memory_space<vmem>>, vector<16xi32>,
        %swap3A_438 = vector.shape_cast %swap3A_437 : vector<16xi32> to vector<16xi32>
        %swap3A_439 = vector.shape_cast %get3A_435 : vector<16xi32> to vector<16xi32>
        tpu.vector_store %arg6[%swap3A_436], %swap3A_439 {strides = array<i32>} : memref<128xi32, #tpu.memory_space<vmem>>, vector<16xi32>,
        %get3A_440 = arith.index_cast %add3A_431 : i32 to index
        %get3A_441 = arith.constant 16 : index
        %get3A_442 = tpu.vector_load %arg4[%get3A_440, %get3A_441] {strides = array<i32>} : memref<40x128xi32, #tpu.memory_space<vmem>>, vector<1x16xi32>,
        %get3A_443 = vector.shape_cast %get3A_442 : vector<1x16xi32> to vector<16xi32>
        %swap3A_444 = arith.constant 16 : index
        %swap3A_445 = tpu.vector_load %arg6[%swap3A_444] {strides = array<i32>} : memref<128xi32, #tpu.memory_space<vmem>>, vector<16xi32>,
        %swap3A_446 = vector.shape_cast %swap3A_445 : vector<16xi32> to vector<16xi32>
        %swap3A_447 = vector.shape_cast %get3A_443 : vector<16xi32> to vector<16xi32>
        tpu.vector_store %arg6[%swap3A_444], %swap3A_447 {strides = array<i32>} : memref<128xi32, #tpu.memory_space<vmem>>, vector<16xi32>,
        %get3A_448 = arith.index_cast %add3A_431 : i32 to index
        %get3A_449 = arith.constant 32 : index
        %get3A_450 = tpu.vector_load %arg4[%get3A_448, %get3A_449] {strides = array<i32>} : memref<40x128xi32, #tpu.memory_space<vmem>>, vector<1x16xi32>,
        %get3A_451 = vector.shape_cast %get3A_450 : vector<1x16xi32> to vector<16xi32>
        %swap3A_452 = arith.constant 32 : index
        %swap3A_453 = tpu.vector_load %arg6[%swap3A_452] {strides = array<i32>} : memref<128xi32, #tpu.memory_space<vmem>>, vector<16xi32>,
        %swap3A_454 = vector.shape_cast %swap3A_453 : vector<16xi32> to vector<16xi32>
        %swap3A_455 = vector.shape_cast %get3A_451 : vector<16xi32> to vector<16xi32>
        tpu.vector_store %arg6[%swap3A_452], %swap3A_455 {strides = array<i32>} : memref<128xi32, #tpu.memory_space<vmem>>, vector<16xi32>,
        %get3A_456 = arith.index_cast %add3A_431 : i32 to index
        %get3A_457 = arith.constant 48 : index
        %get3A_458 = tpu.vector_load %arg4[%get3A_456, %get3A_457] {strides = array<i32>} : memref<40x128xi32, #tpu.memory_space<vmem>>, vector<1x16xi32>,
        %get3A_459 = vector.shape_cast %get3A_458 : vector<1x16xi32> to vector<16xi32>
        %swap3A_460 = arith.constant 48 : index
        %swap3A_461 = tpu.vector_load %arg6[%swap3A_460] {strides = array<i32>} : memref<128xi32, #tpu.memory_space<vmem>>, vector<16xi32>,
        %swap3A_462 = vector.shape_cast %swap3A_461 : vector<16xi32> to vector<16xi32>
        %swap3A_463 = vector.shape_cast %get3A_459 : vector<16xi32> to vector<16xi32>
        tpu.vector_store %arg6[%swap3A_460], %swap3A_463 {strides = array<i32>} : memref<128xi32, #tpu.memory_space<vmem>>, vector<16xi32>,
        %get3A_464 = arith.index_cast %add3A_431 : i32 to index
        %get3A_465 = arith.constant 64 : index
        %get3A_466 = tpu.vector_load %arg4[%get3A_464, %get3A_465] {strides = array<i32>} : memref<40x128xi32, #tpu.memory_space<vmem>>, vector<1x16xi32>,
        %get3A_467 = vector.shape_cast %get3A_466 : vector<1x16xi32> to vector<16xi32>
        %swap3A_468 = arith.constant 64 : index
        %swap3A_469 = tpu.vector_load %arg6[%swap3A_468] {strides = array<i32>} : memref<128xi32, #tpu.memory_space<vmem>>, vector<16xi32>,
        %swap3A_470 = vector.shape_cast %swap3A_469 : vector<16xi32> to vector<16xi32>
        %swap3A_471 = vector.shape_cast %get3A_467 : vector<16xi32> to vector<16xi32>
        tpu.vector_store %arg6[%swap3A_468], %swap3A_471 {strides = array<i32>} : memref<128xi32, #tpu.memory_space<vmem>>, vector<16xi32>,
        %get3A_472 = arith.index_cast %add3A_431 : i32 to index
        %get3A_473 = arith.constant 80 : index
        %get3A_474 = tpu.vector_load %arg4[%get3A_472, %get3A_473] {strides = array<i32>} : memref<40x128xi32, #tpu.memory_space<vmem>>, vector<1x16xi32>,
        %get3A_475 = vector.shape_cast %get3A_474 : vector<1x16xi32> to vector<16xi32>
        %swap3A_476 = arith.constant 80 : index
        %swap3A_477 = tpu.vector_load %arg6[%swap3A_476] {strides = array<i32>} : memref<128xi32, #tpu.memory_space<vmem>>, vector<16xi32>,
        %swap3A_478 = vector.shape_cast %swap3A_477 : vector<16xi32> to vector<16xi32>
        %swap3A_479 = vector.shape_cast %get3A_475 : vector<16xi32> to vector<16xi32>
        tpu.vector_store %arg6[%swap3A_476], %swap3A_479 {strides = array<i32>} : memref<128xi32, #tpu.memory_space<vmem>>, vector<16xi32>,
        %get3A_480 = arith.index_cast %add3A_431 : i32 to index
        %get3A_481 = arith.constant 96 : index
        %get3A_482 = tpu.vector_load %arg4[%get3A_480, %get3A_481] {strides = array<i32>} : memref<40x128xi32, #tpu.memory_space<vmem>>, vector<1x16xi32>,
        %get3A_483 = vector.shape_cast %get3A_482 : vector<1x16xi32> to vector<16xi32>
        %swap3A_484 = arith.constant 96 : index
        %swap3A_485 = tpu.vector_load %arg6[%swap3A_484] {strides = array<i32>} : memref<128xi32, #tpu.memory_space<vmem>>, vector<16xi32>,
        %swap3A_486 = vector.shape_cast %swap3A_485 : vector<16xi32> to vector<16xi32>
        %swap3A_487 = vector.shape_cast %get3A_483 : vector<16xi32> to vector<16xi32>
        tpu.vector_store %arg6[%swap3A_484], %swap3A_487 {strides = array<i32>} : memref<128xi32, #tpu.memory_space<vmem>>, vector<16xi32>,
        %get3A_488 = arith.index_cast %add3A_431 : i32 to index
        %get3A_489 = arith.constant 112 : index
        %get3A_490 = tpu.vector_load %arg4[%get3A_488, %get3A_489] {strides = array<i32>} : memref<40x128xi32, #tpu.memory_space<vmem>>, vector<1x16xi32>,
        %get3A_491 = vector.shape_cast %get3A_490 : vector<1x16xi32> to vector<16xi32>
        %swap3A_492 = arith.constant 112 : index
        %swap3A_493 = tpu.vector_load %arg6[%swap3A_492] {strides = array<i32>} : memref<128xi32, #tpu.memory_space<vmem>>, vector<16xi32>,
        %swap3A_494 = vector.shape_cast %swap3A_493 : vector<16xi32> to vector<16xi32>
        %swap3A_495 = vector.shape_cast %get3A_491 : vector<16xi32> to vector<16xi32>
        tpu.vector_store %arg6[%swap3A_492], %swap3A_495 {strides = array<i32>} : memref<128xi32, #tpu.memory_space<vmem>>, vector<16xi32>,
        %dma_start3A_496 = arith.constant 0 : i32
        %dma_start3A_497 = arith.constant 0 : i32
        %dma_start3A_498 = tpu.memref_slice %arg11[%dma_start3A_496, %dma_start3A_497] : memref<10240x128xf32, #tpu.memory_space<vmem_shared>> -> memref<10240x128xf32, #tpu.memory_space<vmem_shared>>
        tpu.enqueue_indirect_dma source(%arg9 : memref<128x128xf32, #tpu.memory_space<vmem>>) target(%dma_start3A_498 : memref<10240x128xf32, #tpu.memory_space<vmem_shared>>) offsets(%arg6 : memref<128xi32, #tpu.memory_space<vmem>>) semaphore(%arg14 : memref<!tpu.dma_semaphore, #tpu.memory_space<semaphore_mem>>) {add = true}
        %dma_wait3A_499 = arith.constant 0 : i32
        %dma_wait3A_500 = arith.constant 0 : i32
        %dma_wait3A_501 = tpu.memref_slice %arg11[%dma_wait3A_499, %dma_wait3A_500] : memref<10240x128xf32, #tpu.memory_space<vmem_shared>> -> memref<10240x128xf32, #tpu.memory_space<vmem_shared>>
        tpu.wait_indirect_dma semaphore(%arg15 : memref<!tpu.dma_semaphore, #tpu.memory_space<semaphore_mem>>) src(%arg9 : memref<128x128xf32, #tpu.memory_space<vmem>>) dst(%dma_wait3A_501 : memref<10240x128xf32, #tpu.memory_space<vmem_shared>>)
        %mul3A_502 = arith.constant 4 : i32
        %mul3A_503 = arith.muli %mul3A_502, %add3A_342 : i32
        %add3A_504 = arith.constant 4 : i32
        %add3A_505 = arith.addi %mul3A_503, %add3A_504 : i32
        %add3A_506 = arith.constant 2 : i32
        %add3A_507 = arith.addi %add3A_505, %add3A_506 : i32
        %get3A_508 = arith.index_cast %add3A_507 : i32 to index
        %get3A_509 = arith.constant 0 : index
        %get3A_510 = tpu.vector_load %arg4[%get3A_508, %get3A_509] {strides = array<i32>} : memref<40x128xi32, #tpu.memory_space<vmem>>, vector<1x16xi32>,
        %get3A_511 = vector.shape_cast %get3A_510 : vector<1x16xi32> to vector<16xi32>
        %swap3A_512 = arith.constant 0 : index
        %swap3A_513 = tpu.vector_load %arg7[%swap3A_512] {strides = array<i32>} : memref<128xi32, #tpu.memory_space<vmem>>, vector<16xi32>,
        %swap3A_514 = vector.shape_cast %swap3A_513 : vector<16xi32> to vector<16xi32>
        %swap3A_515 = vector.shape_cast %get3A_511 : vector<16xi32> to vector<16xi32>
        tpu.vector_store %arg7[%swap3A_512], %swap3A_515 {strides = array<i32>} : memref<128xi32, #tpu.memory_space<vmem>>, vector<16xi32>,
        %get3A_516 = arith.index_cast %add3A_507 : i32 to index
        %get3A_517 = arith.constant 16 : index
        %get3A_518 = tpu.vector_load %arg4[%get3A_516, %get3A_517] {strides = array<i32>} : memref<40x128xi32, #tpu.memory_space<vmem>>, vector<1x16xi32>,
        %get3A_519 = vector.shape_cast %get3A_518 : vector<1x16xi32> to vector<16xi32>
        %swap3A_520 = arith.constant 16 : index
        %swap3A_521 = tpu.vector_load %arg7[%swap3A_520] {strides = array<i32>} : memref<128xi32, #tpu.memory_space<vmem>>, vector<16xi32>,
        %swap3A_522 = vector.shape_cast %swap3A_521 : vector<16xi32> to vector<16xi32>
        %swap3A_523 = vector.shape_cast %get3A_519 : vector<16xi32> to vector<16xi32>
        tpu.vector_store %arg7[%swap3A_520], %swap3A_523 {strides = array<i32>} : memref<128xi32, #tpu.memory_space<vmem>>, vector<16xi32>,
        %get3A_524 = arith.index_cast %add3A_507 : i32 to index
        %get3A_525 = arith.constant 32 : index
        %get3A_526 = tpu.vector_load %arg4[%get3A_524, %get3A_525] {strides = array<i32>} : memref<40x128xi32, #tpu.memory_space<vmem>>, vector<1x16xi32>,
        %get3A_527 = vector.shape_cast %get3A_526 : vector<1x16xi32> to vector<16xi32>
        %swap3A_528 = arith.constant 32 : index
        %swap3A_529 = tpu.vector_load %arg7[%swap3A_528] {strides = array<i32>} : memref<128xi32, #tpu.memory_space<vmem>>, vector<16xi32>,
        %swap3A_530 = vector.shape_cast %swap3A_529 : vector<16xi32> to vector<16xi32>
        %swap3A_531 = vector.shape_cast %get3A_527 : vector<16xi32> to vector<16xi32>
        tpu.vector_store %arg7[%swap3A_528], %swap3A_531 {strides = array<i32>} : memref<128xi32, #tpu.memory_space<vmem>>, vector<16xi32>,
        %get3A_532 = arith.index_cast %add3A_507 : i32 to index
        %get3A_533 = arith.constant 48 : index
        %get3A_534 = tpu.vector_load %arg4[%get3A_532, %get3A_533] {strides = array<i32>} : memref<40x128xi32, #tpu.memory_space<vmem>>, vector<1x16xi32>,
        %get3A_535 = vector.shape_cast %get3A_534 : vector<1x16xi32> to vector<16xi32>
        %swap3A_536 = arith.constant 48 : index
        %swap3A_537 = tpu.vector_load %arg7[%swap3A_536] {strides = array<i32>} : memref<128xi32, #tpu.memory_space<vmem>>, vector<16xi32>,
        %swap3A_538 = vector.shape_cast %swap3A_537 : vector<16xi32> to vector<16xi32>
        %swap3A_539 = vector.shape_cast %get3A_535 : vector<16xi32> to vector<16xi32>
        tpu.vector_store %arg7[%swap3A_536], %swap3A_539 {strides = array<i32>} : memref<128xi32, #tpu.memory_space<vmem>>, vector<16xi32>,
        %get3A_540 = arith.index_cast %add3A_507 : i32 to index
        %get3A_541 = arith.constant 64 : index
        %get3A_542 = tpu.vector_load %arg4[%get3A_540, %get3A_541] {strides = array<i32>} : memref<40x128xi32, #tpu.memory_space<vmem>>, vector<1x16xi32>,
        %get3A_543 = vector.shape_cast %get3A_542 : vector<1x16xi32> to vector<16xi32>
        %swap3A_544 = arith.constant 64 : index
        %swap3A_545 = tpu.vector_load %arg7[%swap3A_544] {strides = array<i32>} : memref<128xi32, #tpu.memory_space<vmem>>, vector<16xi32>,
        %swap3A_546 = vector.shape_cast %swap3A_545 : vector<16xi32> to vector<16xi32>
        %swap3A_547 = vector.shape_cast %get3A_543 : vector<16xi32> to vector<16xi32>
        tpu.vector_store %arg7[%swap3A_544], %swap3A_547 {strides = array<i32>} : memref<128xi32, #tpu.memory_space<vmem>>, vector<16xi32>,
        %get3A_548 = arith.index_cast %add3A_507 : i32 to index
        %get3A_549 = arith.constant 80 : index
        %get3A_550 = tpu.vector_load %arg4[%get3A_548, %get3A_549] {strides = array<i32>} : memref<40x128xi32, #tpu.memory_space<vmem>>, vector<1x16xi32>,
        %get3A_551 = vector.shape_cast %get3A_550 : vector<1x16xi32> to vector<16xi32>
        %swap3A_552 = arith.constant 80 : index
        %swap3A_553 = tpu.vector_load %arg7[%swap3A_552] {strides = array<i32>} : memref<128xi32, #tpu.memory_space<vmem>>, vector<16xi32>,
        %swap3A_554 = vector.shape_cast %swap3A_553 : vector<16xi32> to vector<16xi32>
        %swap3A_555 = vector.shape_cast %get3A_551 : vector<16xi32> to vector<16xi32>
        tpu.vector_store %arg7[%swap3A_552], %swap3A_555 {strides = array<i32>} : memref<128xi32, #tpu.memory_space<vmem>>, vector<16xi32>,
        %get3A_556 = arith.index_cast %add3A_507 : i32 to index
        %get3A_557 = arith.constant 96 : index
        %get3A_558 = tpu.vector_load %arg4[%get3A_556, %get3A_557] {strides = array<i32>} : memref<40x128xi32, #tpu.memory_space<vmem>>, vector<1x16xi32>,
        %get3A_559 = vector.shape_cast %get3A_558 : vector<1x16xi32> to vector<16xi32>
        %swap3A_560 = arith.constant 96 : index
        %swap3A_561 = tpu.vector_load %arg7[%swap3A_560] {strides = array<i32>} : memref<128xi32, #tpu.memory_space<vmem>>, vector<16xi32>,
        %swap3A_562 = vector.shape_cast %swap3A_561 : vector<16xi32> to vector<16xi32>
        %swap3A_563 = vector.shape_cast %get3A_559 : vector<16xi32> to vector<16xi32>
        tpu.vector_store %arg7[%swap3A_560], %swap3A_563 {strides = array<i32>} : memref<128xi32, #tpu.memory_space<vmem>>, vector<16xi32>,
        %get3A_564 = arith.index_cast %add3A_507 : i32 to index
        %get3A_565 = arith.constant 112 : index
        %get3A_566 = tpu.vector_load %arg4[%get3A_564, %get3A_565] {strides = array<i32>} : memref<40x128xi32, #tpu.memory_space<vmem>>, vector<1x16xi32>,
        %get3A_567 = vector.shape_cast %get3A_566 : vector<1x16xi32> to vector<16xi32>
        %swap3A_568 = arith.constant 112 : index
        %swap3A_569 = tpu.vector_load %arg7[%swap3A_568] {strides = array<i32>} : memref<128xi32, #tpu.memory_space<vmem>>, vector<16xi32>,
        %swap3A_570 = vector.shape_cast %swap3A_569 : vector<16xi32> to vector<16xi32>
        %swap3A_571 = vector.shape_cast %get3A_567 : vector<16xi32> to vector<16xi32>
        tpu.vector_store %arg7[%swap3A_568], %swap3A_571 {strides = array<i32>} : memref<128xi32, #tpu.memory_space<vmem>>, vector<16xi32>,
        %dma_start3A_572 = arith.constant 0 : i32
        %dma_start3A_573 = arith.constant 0 : i32
        %dma_start3A_574 = tpu.memref_slice %arg11[%dma_start3A_572, %dma_start3A_573] : memref<10240x128xf32, #tpu.memory_space<vmem_shared>> -> memref<10240x128xf32, #tpu.memory_space<vmem_shared>>
        tpu.enqueue_indirect_dma source(%arg9 : memref<128x128xf32, #tpu.memory_space<vmem>>) target(%dma_start3A_574 : memref<10240x128xf32, #tpu.memory_space<vmem_shared>>) offsets(%arg7 : memref<128xi32, #tpu.memory_space<vmem>>) semaphore(%arg15 : memref<!tpu.dma_semaphore, #tpu.memory_space<semaphore_mem>>) {add = true}
        %dma_wait3A_575 = arith.constant 0 : i32
        %dma_wait3A_576 = arith.constant 0 : i32
        %dma_wait3A_577 = tpu.memref_slice %arg11[%dma_wait3A_575, %dma_wait3A_576] : memref<10240x128xf32, #tpu.memory_space<vmem_shared>> -> memref<10240x128xf32, #tpu.memory_space<vmem_shared>>
        tpu.wait_indirect_dma semaphore(%arg16 : memref<!tpu.dma_semaphore, #tpu.memory_space<semaphore_mem>>) src(%arg9 : memref<128x128xf32, #tpu.memory_space<vmem>>) dst(%dma_wait3A_577 : memref<10240x128xf32, #tpu.memory_space<vmem_shared>>)
        %mul3A_578 = arith.constant 4 : i32
        %mul3A_579 = arith.muli %mul3A_578, %add3A_342 : i32
        %add3A_580 = arith.constant 4 : i32
        %add3A_581 = arith.addi %mul3A_579, %add3A_580 : i32
        %add3A_582 = arith.constant 3 : i32
        %add3A_583 = arith.addi %add3A_581, %add3A_582 : i32
        %get3A_584 = arith.index_cast %add3A_583 : i32 to index
        %get3A_585 = arith.constant 0 : index
        %get3A_586 = tpu.vector_load %arg4[%get3A_584, %get3A_585] {strides = array<i32>} : memref<40x128xi32, #tpu.memory_space<vmem>>, vector<1x16xi32>,
        %get3A_587 = vector.shape_cast %get3A_586 : vector<1x16xi32> to vector<16xi32>
        %swap3A_588 = arith.constant 0 : index
        %swap3A_589 = tpu.vector_load %arg8[%swap3A_588] {strides = array<i32>} : memref<128xi32, #tpu.memory_space<vmem>>, vector<16xi32>,
        %swap3A_590 = vector.shape_cast %swap3A_589 : vector<16xi32> to vector<16xi32>
        %swap3A_591 = vector.shape_cast %get3A_587 : vector<16xi32> to vector<16xi32>
        tpu.vector_store %arg8[%swap3A_588], %swap3A_591 {strides = array<i32>} : memref<128xi32, #tpu.memory_space<vmem>>, vector<16xi32>,
        %get3A_592 = arith.index_cast %add3A_583 : i32 to index
        %get3A_593 = arith.constant 16 : index
        %get3A_594 = tpu.vector_load %arg4[%get3A_592, %get3A_593] {strides = array<i32>} : memref<40x128xi32, #tpu.memory_space<vmem>>, vector<1x16xi32>,
        %get3A_595 = vector.shape_cast %get3A_594 : vector<1x16xi32> to vector<16xi32>
        %swap3A_596 = arith.constant 16 : index
        %swap3A_597 = tpu.vector_load %arg8[%swap3A_596] {strides = array<i32>} : memref<128xi32, #tpu.memory_space<vmem>>, vector<16xi32>,
        %swap3A_598 = vector.shape_cast %swap3A_597 : vector<16xi32> to vector<16xi32>
        %swap3A_599 = vector.shape_cast %get3A_595 : vector<16xi32> to vector<16xi32>
        tpu.vector_store %arg8[%swap3A_596], %swap3A_599 {strides = array<i32>} : memref<128xi32, #tpu.memory_space<vmem>>, vector<16xi32>,
        %get3A_600 = arith.index_cast %add3A_583 : i32 to index
        %get3A_601 = arith.constant 32 : index
        %get3A_602 = tpu.vector_load %arg4[%get3A_600, %get3A_601] {strides = array<i32>} : memref<40x128xi32, #tpu.memory_space<vmem>>, vector<1x16xi32>,
        %get3A_603 = vector.shape_cast %get3A_602 : vector<1x16xi32> to vector<16xi32>
        %swap3A_604 = arith.constant 32 : index
        %swap3A_605 = tpu.vector_load %arg8[%swap3A_604] {strides = array<i32>} : memref<128xi32, #tpu.memory_space<vmem>>, vector<16xi32>,
        %swap3A_606 = vector.shape_cast %swap3A_605 : vector<16xi32> to vector<16xi32>
        %swap3A_607 = vector.shape_cast %get3A_603 : vector<16xi32> to vector<16xi32>
        tpu.vector_store %arg8[%swap3A_604], %swap3A_607 {strides = array<i32>} : memref<128xi32, #tpu.memory_space<vmem>>, vector<16xi32>,
        %get3A_608 = arith.index_cast %add3A_583 : i32 to index
        %get3A_609 = arith.constant 48 : index
        %get3A_610 = tpu.vector_load %arg4[%get3A_608, %get3A_609] {strides = array<i32>} : memref<40x128xi32, #tpu.memory_space<vmem>>, vector<1x16xi32>,
        %get3A_611 = vector.shape_cast %get3A_610 : vector<1x16xi32> to vector<16xi32>
        %swap3A_612 = arith.constant 48 : index
        %swap3A_613 = tpu.vector_load %arg8[%swap3A_612] {strides = array<i32>} : memref<128xi32, #tpu.memory_space<vmem>>, vector<16xi32>,
        %swap3A_614 = vector.shape_cast %swap3A_613 : vector<16xi32> to vector<16xi32>
        %swap3A_615 = vector.shape_cast %get3A_611 : vector<16xi32> to vector<16xi32>
        tpu.vector_store %arg8[%swap3A_612], %swap3A_615 {strides = array<i32>} : memref<128xi32, #tpu.memory_space<vmem>>, vector<16xi32>,
        %get3A_616 = arith.index_cast %add3A_583 : i32 to index
        %get3A_617 = arith.constant 64 : index
        %get3A_618 = tpu.vector_load %arg4[%get3A_616, %get3A_617] {strides = array<i32>} : memref<40x128xi32, #tpu.memory_space<vmem>>, vector<1x16xi32>,
        %get3A_619 = vector.shape_cast %get3A_618 : vector<1x16xi32> to vector<16xi32>
        %swap3A_620 = arith.constant 64 : index
        %swap3A_621 = tpu.vector_load %arg8[%swap3A_620] {strides = array<i32>} : memref<128xi32, #tpu.memory_space<vmem>>, vector<16xi32>,
        %swap3A_622 = vector.shape_cast %swap3A_621 : vector<16xi32> to vector<16xi32>
        %swap3A_623 = vector.shape_cast %get3A_619 : vector<16xi32> to vector<16xi32>
        tpu.vector_store %arg8[%swap3A_620], %swap3A_623 {strides = array<i32>} : memref<128xi32, #tpu.memory_space<vmem>>, vector<16xi32>,
        %get3A_624 = arith.index_cast %add3A_583 : i32 to index
        %get3A_625 = arith.constant 80 : index
        %get3A_626 = tpu.vector_load %arg4[%get3A_624, %get3A_625] {strides = array<i32>} : memref<40x128xi32, #tpu.memory_space<vmem>>, vector<1x16xi32>,
        %get3A_627 = vector.shape_cast %get3A_626 : vector<1x16xi32> to vector<16xi32>
        %swap3A_628 = arith.constant 80 : index
        %swap3A_629 = tpu.vector_load %arg8[%swap3A_628] {strides = array<i32>} : memref<128xi32, #tpu.memory_space<vmem>>, vector<16xi32>,
        %swap3A_630 = vector.shape_cast %swap3A_629 : vector<16xi32> to vector<16xi32>
        %swap3A_631 = vector.shape_cast %get3A_627 : vector<16xi32> to vector<16xi32>
        tpu.vector_store %arg8[%swap3A_628], %swap3A_631 {strides = array<i32>} : memref<128xi32, #tpu.memory_space<vmem>>, vector<16xi32>,
        %get3A_632 = arith.index_cast %add3A_583 : i32 to index
        %get3A_633 = arith.constant 96 : index
        %get3A_634 = tpu.vector_load %arg4[%get3A_632, %get3A_633] {strides = array<i32>} : memref<40x128xi32, #tpu.memory_space<vmem>>, vector<1x16xi32>,
        %get3A_635 = vector.shape_cast %get3A_634 : vector<1x16xi32> to vector<16xi32>
        %swap3A_636 = arith.constant 96 : index
        %swap3A_637 = tpu.vector_load %arg8[%swap3A_636] {strides = array<i32>} : memref<128xi32, #tpu.memory_space<vmem>>, vector<16xi32>,
        %swap3A_638 = vector.shape_cast %swap3A_637 : vector<16xi32> to vector<16xi32>
        %swap3A_639 = vector.shape_cast %get3A_635 : vector<16xi32> to vector<16xi32>
        tpu.vector_store %arg8[%swap3A_636], %swap3A_639 {strides = array<i32>} : memref<128xi32, #tpu.memory_space<vmem>>, vector<16xi32>,
        %get3A_640 = arith.index_cast %add3A_583 : i32 to index
        %get3A_641 = arith.constant 112 : index
        %get3A_642 = tpu.vector_load %arg4[%get3A_640, %get3A_641] {strides = array<i32>} : memref<40x128xi32, #tpu.memory_space<vmem>>, vector<1x16xi32>,
        %get3A_643 = vector.shape_cast %get3A_642 : vector<1x16xi32> to vector<16xi32>
        %swap3A_644 = arith.constant 112 : index
        %swap3A_645 = tpu.vector_load %arg8[%swap3A_644] {strides = array<i32>} : memref<128xi32, #tpu.memory_space<vmem>>, vector<16xi32>,
        %swap3A_646 = vector.shape_cast %swap3A_645 : vector<16xi32> to vector<16xi32>
        %swap3A_647 = vector.shape_cast %get3A_643 : vector<16xi32> to vector<16xi32>
        tpu.vector_store %arg8[%swap3A_644], %swap3A_647 {strides = array<i32>} : memref<128xi32, #tpu.memory_space<vmem>>, vector<16xi32>,
        %dma_start3A_648 = arith.constant 0 : i32
        %dma_start3A_649 = arith.constant 0 : i32
        %dma_start3A_650 = tpu.memref_slice %arg11[%dma_start3A_648, %dma_start3A_649] : memref<10240x128xf32, #tpu.memory_space<vmem_shared>> -> memref<10240x128xf32, #tpu.memory_space<vmem_shared>>
        tpu.enqueue_indirect_dma source(%arg9 : memref<128x128xf32, #tpu.memory_space<vmem>>) target(%dma_start3A_650 : memref<10240x128xf32, #tpu.memory_space<vmem_shared>>) offsets(%arg8 : memref<128xi32, #tpu.memory_space<vmem>>) semaphore(%arg16 : memref<!tpu.dma_semaphore, #tpu.memory_space<semaphore_mem>>) {add = true}
      } else {
      }
    }
    %scan3A_324 = arith.constant 10 : i32
    %dma_wait3A_325 = arith.constant 0 : i32
    %dma_wait3A_326 = arith.constant 0 : i32
    %dma_wait3A_327 = tpu.memref_slice %arg11[%dma_wait3A_325, %dma_wait3A_326] : memref<10240x128xf32, #tpu.memory_space<vmem_shared>> -> memref<10240x128xf32, #tpu.memory_space<vmem_shared>>
    tpu.wait_indirect_dma semaphore(%arg13 : memref<!tpu.dma_semaphore, #tpu.memory_space<semaphore_mem>>) src(%arg9 : memref<128x128xf32, #tpu.memory_space<vmem>>) dst(%dma_wait3A_327 : memref<10240x128xf32, #tpu.memory_space<vmem_shared>>)
    %dma_wait3A_328 = arith.constant 0 : i32
    %dma_wait3A_329 = arith.constant 0 : i32
    %dma_wait3A_330 = tpu.memref_slice %arg11[%dma_wait3A_328, %dma_wait3A_329] : memref<10240x128xf32, #tpu.memory_space<vmem_shared>> -> memref<10240x128xf32, #tpu.memory_space<vmem_shared>>
    tpu.wait_indirect_dma semaphore(%arg14 : memref<!tpu.dma_semaphore, #tpu.memory_space<semaphore_mem>>) src(%arg9 : memref<128x128xf32, #tpu.memory_space<vmem>>) dst(%dma_wait3A_330 : memref<10240x128xf32, #tpu.memory_space<vmem_shared>>)
    %dma_wait3A_331 = arith.constant 0 : i32
    %dma_wait3A_332 = arith.constant 0 : i32
    %dma_wait3A_333 = tpu.memref_slice %arg11[%dma_wait3A_331, %dma_wait3A_332] : memref<10240x128xf32, #tpu.memory_space<vmem_shared>> -> memref<10240x128xf32, #tpu.memory_space<vmem_shared>>
    tpu.wait_indirect_dma semaphore(%arg15 : memref<!tpu.dma_semaphore, #tpu.memory_space<semaphore_mem>>) src(%arg9 : memref<128x128xf32, #tpu.memory_space<vmem>>) dst(%dma_wait3A_333 : memref<10240x128xf32, #tpu.memory_space<vmem_shared>>)
    %dma_wait3A_334 = arith.constant 0 : i32
    %dma_wait3A_335 = arith.constant 0 : i32
    %dma_wait3A_336 = tpu.memref_slice %arg11[%dma_wait3A_334, %dma_wait3A_335] : memref<10240x128xf32, #tpu.memory_space<vmem_shared>> -> memref<10240x128xf32, #tpu.memory_space<vmem_shared>>
    tpu.wait_indirect_dma semaphore(%arg16 : memref<!tpu.dma_semaphore, #tpu.memory_space<semaphore_mem>>) src(%arg9 : memref<128x128xf32, #tpu.memory_space<vmem>>) dst(%dma_wait3A_336 : memref<10240x128xf32, #tpu.memory_space<vmem_shared>>)
    %barrier3A_337 = arith.constant 0 : index
    tpu.barrier barrier_id(%barrier3A_337)
    "tpu.region"() ({
      %run_scoped3A = tpu.sem_alloc : memref<!tpu.dma_semaphore, #tpu.memory_space<semaphore_mem>>
      %dma_start3A_338 = arith.constant 0 : i32
      %dma_start3A_339 = arith.constant 0 : i32
      %dma_start3A_340 = tpu.memref_slice %arg3[%arg0, %dma_start3A_338, %dma_start3A_339] : memref<2x10240x128xf32, #tpu.memory_space<hbm>> -> memref<1x10240x128xf32, #tpu.memory_space<hbm>>
      %dma_start3A_341 = tpu.memref_squeeze %dma_start3A_340 : memref<1x10240x128xf32, #tpu.memory_space<hbm>> -> memref<10240x128xf32, #tpu.memory_space<hbm>>
      %dma_start3A_342 = arith.constant 0 : i32
      %dma_start3A_343 = tpu.memref_slice %dma_start3A_341[%mul3A_0, %dma_start3A_342] : memref<10240x128xf32, #tpu.memory_space<hbm>> -> memref<640x128xf32, #tpu.memory_space<hbm>>
      %dma_start3A_344 = arith.constant 0 : i32
      %dma_start3A_345 = tpu.memref_slice %arg11[%mul3A_0, %dma_start3A_344] : memref<10240x128xf32, #tpu.memory_space<vmem_shared>> -> memref<640x128xf32, #tpu.memory_space<vmem_shared>>
      tpu.enqueue_dma source(%dma_start3A_345 : memref<640x128xf32, #tpu.memory_space<vmem_shared>>) target(%dma_start3A_343 : memref<640x128xf32, #tpu.memory_space<hbm>>) target_semaphore(%run_scoped3A : memref<!tpu.dma_semaphore, #tpu.memory_space<semaphore_mem>>)
      %dma_wait3A_346 = arith.constant 0 : i32
      %dma_wait3A_347 = arith.constant 0 : i32
      %dma_wait3A_348 = tpu.memref_slice %arg3[%arg0, %dma_wait3A_346, %dma_wait3A_347] : memref<2x10240x128xf32, #tpu.memory_space<hbm>> -> memref<1x10240x128xf32, #tpu.memory_space<hbm>>
      %dma_wait3A_349 = tpu.memref_squeeze %dma_wait3A_348 : memref<1x10240x128xf32, #tpu.memory_space<hbm>> -> memref<10240x128xf32, #tpu.memory_space<hbm>>
      %dma_wait3A_350 = arith.constant 0 : i32
      %dma_wait3A_351 = tpu.memref_slice %dma_wait3A_349[%mul3A_0, %dma_wait3A_350] : memref<10240x128xf32, #tpu.memory_space<hbm>> -> memref<640x128xf32, #tpu.memory_space<hbm>>
      %dma_wait3A_352 = arith.constant 0 : i32
      %dma_wait3A_353 = tpu.memref_slice %arg11[%mul3A_0, %dma_wait3A_352] : memref<10240x128xf32, #tpu.memory_space<vmem_shared>> -> memref<640x128xf32, #tpu.memory_space<vmem_shared>>
      tpu.wait_dma2 semaphore(%run_scoped3A : memref<!tpu.dma_semaphore, #tpu.memory_space<semaphore_mem>>) src(%dma_wait3A_353 : memref<640x128xf32, #tpu.memory_space<vmem_shared>>) dst(%dma_wait3A_351 : memref<640x128xf32, #tpu.memory_space<hbm>>)
      tpu.yield
    }) : () -> ()
    return
  }
}

</mosaic_0001>

<sc_bundles>
// kernel: _sc_deg.3.cloned.1.call-start
scs
__scs_entry_jumppad:
0x0: {  	(pc) =	sbr.rel $0x88, $3  }
0x1: {  	(tag) =	ssettag $0x0;
	lr =	simm.s32 $0x1  }
0x2: {  	[smem:$0x3FA0] =	sst lr;
	_ =	strace $0xD0000000  }
0x3: {  	_ = 	snop  }
0x4: {  	_ = 	snop  }
0x5: {  	_ = 	snop  }
0x6: {  	_ = 	snop  }
0x7: {  	_ = 	snop  }
__scs_overlays_trampoline_lowered:
0x8: {  	[smem:$0x3FAF] =	sst s0  }
0x9: {  	[smem:$0x3FB0] =	sst s1  }
0xa: {  	[smem:$0x3FB1] =	sst s2  }
0xb: {  	[smem:$0x3FB2] =	sst s3  }
0xc: {  	[smem:$0x3FB3] =	sst s4  }
0xd: {  	[smem:$0x3FB4] =	sst s5  }
0xe: {  	[smem:$0x3FB5] =	sst s6  }
0xf: {  	[smem:$0x3FB6] =	sst s7  }
0x10: {  	[smem:$0x3FB7] =	sst s8  }
0x11: {  	[smem:$0x3FB8] =	sst s9;
	s0 =	simm.s32 @!p0 $0x0  }
0x12: {  	s1 =	sld [smem:$0x3F9E];
	s0 =	simm.s32 @p0 $0x1  }
0x13: {  	[smem:$0x3FB9] =	sst s0;
	s0 =	simm.s32 @!p1 $0x0  }
0x14: {  	s2 =	sld [smem:$0x3F9D];
	s0 =	simm.s32 @p1 $0x1  }
0x15: {  	[smem:$0x3FBA] =	sst s0;
	s0 =	simm.s32 @!p2 $0x0  }
0x16: {  	s3 =	sld [smem:$0x3FDB];
	s0 =	simm.s32 @p2 $0x1  }
0x17: {  	s4 =	simm.s32 $0x1BF5;
	[smem:$0x3FBC] =	sst s0  }
0x18: {  	s0 =	sld [smem:$0x3F9F];
	_ =	swait.ge [sflag:s4], $0x0  }
0x19: {  	s7 =	sld [smem:$0x3FA0]  }
0x1a: {  	s8 =	sadd.s32 $0xFFFFE003, lr  }
0x1b: {  	s9 =	sadd.s32 $0xFFFFFEF7, lr;
	s5 =	simm.s32 $0xFFFFFFFF;
	p2 =	slt.u32 s8, $0xFFFFF086  }
0x1c: {  	p1 =	slt.u32 s9, $0xF7A;
	s5 =	simm.s32 @!p2 $0x0  }
0x1d: {  	s5 =	simm.s32 @p1 $0x1;
	p0 =	seq.s32 s7, s2  }
0x1e: {  	s7 =	smul.u32 @!p0 $0xF7A, s2;
	p2 =	seq.s32 @!p0 s5, $0x0  }
0x1f: {  	s9 =	smul.u32 $0xF7A, s1;
	s8 =	simm.s32 @!p0 $0x1BF5;
	p2 =	por !p2, p0  }
0x20: {  	[sflag:s8] =	ssyncset.s32 @!p0 $0xFFFFF086;
	s6 =	sadd.s32 @!p0 s3, s7;
	s7 =	simm.s32 @!p0 $0x108  }
0x21: {  	s3 =	sadd.s32 s3, s9;
	s6 =	sadd.s32 @!p0 $0x88, s6;
	s7 =	simm.s32 @p2 $0x1082  }
0x22: {  	[simem:s7], [sflag:s8] =	dma.local @!p0 [hbm:s6], $0xF7A  }
0x23: {  	s9 =	sor.u32 $0xD0000000, s2;
	s6 =	simm.s32 $0x108;
	_ =	swait.ge @!p0 [sflag:s8], $0x0  }
0x24: {  	s3 =	sadd.s32 $0x88, s3;
	s6 =	simm.s32 @!p1 $0x1082;
	[sflag:s4] =	ssyncset.s32 $0xFFFFF086  }
0x25: {  	[simem:s6], [sflag:s4] =	dma.local [hbm:s3], $0xF7A  }
0x26: {  	[smem:$0x3FA0] =	sst s1;
	(tag) =	ssettag s2;
	_ =	strace s9  }
0x27: {  	s1 =	sld [smem:$0x3FB0]  }
0x28: {  	s2 =	sld [smem:$0x3FB1]  }
0x29: {  	s4 =	sld [smem:$0x3FB3]  }
0x2a: {  	p0 =	seq.s32 s5, $0x0;
	s5 =	sld [smem:$0x3FB4]  }
0x2b: {  	s6 =	sld [smem:$0x3FB5]  }
0x2c: {  	s7 =	sld [smem:$0x3FB6]  }
0x2d: {  	s3 =	simm.s32 $0x108;
	s8 =	sld [smem:$0x3FB7]  }
0x2e: {  	s3 =	simm.s32 @!p0 $0x1082;
	s9 =	sld [smem:$0x3FB8]  }
0x2f: {  	lr =	sadd.s32 s0, s3;
	s0 =	sld [smem:$0x3FAF]  }
0x30: {  	s3 =	sld [smem:$0x3FB2]  }
0x31: {  	[smem:$0x3FBB] =	sst s10  }
0x32: {  	s10 =	sld [smem:$0x3FB9];
	_ =	sdelay $0x3  }
0x33: {  	p0 =	seq.s32 s10, $0x1;
	s10 =	sld [smem:$0x3FBB];
	_ =	sdelay $0x3  }
0x34: {  	[smem:$0x3FBB] =	sst s10  }
0x35: {  	s10 =	sld [smem:$0x3FBA];
	_ =	sdelay $0x3  }
0x36: {  	p1 =	seq.s32 s10, $0x1;
	s10 =	sld [smem:$0x3FBB];
	_ =	sdelay $0x3  }
0x37: {  	[smem:$0x3FBB] =	sst s10  }
0x38: {  	s10 =	sld [smem:$0x3FBC]  }
0x39: {  	_ = 	snop;
	(pc) =	sbr.ind lr, $3  }
0x3a: {  	_ = 	snop  }
0x3b: {  	_ = 	snop  }
0x3c: {  	p2 =	seq.s32 s10, $0x1;
	s10 =	sld [smem:$0x3FBB]  }
0x3d: {  	_ =	shalt  }
0x3e: {  	_ =	shalt  }
0x3f: {  	_ =	shalt  }
0x40: {  	_ =	shalt  }
0x41: {  	_ =	shalt  }
0x42: {  	_ =	shalt  }
0x43: {  	_ =	shalt  }
0x44: {  	_ =	shalt  }
0x45: {  	_ =	shalt  }
0x46: {  	_ =	shalt  }
0x47: {  	_ =	shalt  }
0x48: {  	_ =	shalt  }
0x49: {  	_ =	shalt  }
0x4a: {  	_ =	shalt  }
0x4b: {  	_ =	shalt  }
0x4c: {  	_ =	shalt  }
0x4d: {  	_ =	shalt  }
0x4e: {  	_ =	shalt  }
0x4f: {  	_ =	shalt  }
0x50: {  	_ =	shalt  }
0x51: {  	_ =	shalt  }
0x52: {  	_ =	shalt  }
0x53: {  	_ =	shalt  }
0x54: {  	_ =	shalt  }
0x55: {  	_ =	shalt  }
0x56: {  	_ =	shalt  }
0x57: {  	_ =	shalt  }
0x58: {  	_ =	shalt  }
0x59: {  	_ =	shalt  }
0x5a: {  	_ =	shalt  }
0x5b: {  	_ =	shalt  }
0x5c: {  	_ =	shalt  }
0x5d: {  	_ =	shalt  }
0x5e: {  	_ =	shalt  }
0x5f: {  	_ =	shalt  }
0x60: {  	_ =	shalt  }
0x61: {  	_ =	shalt  }
0x62: {  	_ =	shalt  }
0x63: {  	_ =	shalt  }
0x64: {  	_ =	shalt  }
0x65: {  	_ =	shalt  }
0x66: {  	_ =	shalt  }
0x67: {  	_ =	shalt  }
0x68: {  	_ =	shalt  }
0x69: {  	_ =	shalt  }
0x6a: {  	_ =	shalt  }
0x6b: {  	_ =	shalt  }
0x6c: {  	_ =	shalt  }
0x6d: {  	_ =	shalt  }
0x6e: {  	_ =	shalt  }
0x6f: {  	_ =	shalt  }
0x70: {  	_ =	shalt  }
0x71: {  	_ =	shalt  }
0x72: {  	_ =	shalt  }
0x73: {  	_ =	shalt  }
0x74: {  	_ =	shalt  }
0x75: {  	_ =	shalt  }
0x76: {  	_ =	shalt  }
0x77: {  	_ =	shalt  }
0x78: {  	_ =	shalt  }
0x79: {  	_ =	shalt  }
0x7a: {  	_ =	shalt  }
0x7b: {  	_ =	shalt  }
0x7c: {  	_ =	shalt  }
0x7d: {  	_ =	shalt  }
0x7e: {  	_ =	shalt  }
0x7f: {  	_ =	shalt  }
0x80: {  	_ =	shalt  }
0x81: {  	_ =	shalt  }
0x82: {  	_ =	shalt  }
0x83: {  	_ =	shalt  }
0x84: {  	_ =	shalt  }
0x85: {  	_ =	shalt  }
0x86: {  	_ =	shalt  }
0x87: {  	_ =	shalt  }
.Lfunc_end0:
.L_simem_size_0:
called_computation_lowered:
.L_overlay_start_0:
0x88: {  	s2 =	sld [smem:$0x3FD9]  }
0x89: {  	s3 =	sld [smem:$0x3FFE];
	_ =	sdelay $0x1  }
0x8a: {  	s1 =	srdreg.scid  }
0x8b: {  	s0 =	sand.u32 $0x1, s1  }
0x8c: {  	s18 =	sshll.u32 s0, $0xA;
	s2 =	sadd.s32 s3, s2  }
0x8d: {  	s2 =	sadd.s32 s2, s18  }
0x8e: {  	[smem:$0x3FC7] =	sst s2  }
0x8f: {  	_ = 	snop  }
0x90: {  	s2 =	sld [smem:$0x3FC9]  }
0x91: {  	s19 =	sld [smem:$0x3FD0];
	(tm) =	ssettm $0x1  }
0x92: {  	s4 =	sld [smem:$0x3FFB];
	_ =	sdelay $0x3  }
0x93: {  	_ =	strace s4  }
0x94: {  	s4 =	sld [smem:$0x3FFC];
	_ =	sdelay $0x3  }
0x95: {  	_ =	strace s4  }
0x96: {  	s4 =	sld [smem:$0x3FFD];
	_ =	sdelay $0x3  }
0x97: {  	_ =	strace s4  }
0x98: {  	_ =	strace $0x8FFFFFFF  }
0x99: {  	s20 =	sld [smem:$0x3FDB];
	_ =	sdelay $0x1  }
0x9a: {  	s5 =	simm.s32 $_scs_section_size  }
0x9b: {  	s6 =	simm.s32 $_size__tile_overlayer_lowered;
	s7 =	simm.s32 $_tile_overlayer_lowered  }
0x9c: {  	s23 =	simm.s32 $0x1BFF;
	s22 =	sshll.u32 s7, $0x1;
	s4 =	sadd.s32 s5, s20  }
0x9d: {  	s8 =	simm.s32 $0x0;
	s21 =	sshll.u32 s6, $0x1;
	s6 =	sadd.s32 s22, s4  }
0x9e: {  	[timem:s8], [sflag:s23] =	dma.local [hbm:s6], s21  }
0x9f: {  	_ =	swait.ge [sflag:s23], s21  }
0xa0: {  	s5 =	ssub.s32 $0x0, s21;
	[sflag:s23] =	ssyncset.done $0x0  }
0xa1: {  	[sflag:s23] =	ssyncadd.s32 s5;
	_ =	sdelay $0x1  }
0xa2: {  	s24 =	simm.s32 $0x1B8B  }
0xa3: {  	_ =	swait.ge [sflag:s24], $0x1  }
0xa4: {  	[sflag:s24] =	ssyncset.done $0x0  }
0xa5: {  	s25 =	simm.s32 $0x1B8E;
	[sflag:s24] =	ssyncadd.s32 $0xFFFFFFFF  }
0xa6: {  	s26 =	simm.s32 $execute0_lowered;
	[smem:$0x3FD2] =	sst s25  }
0xa7: {  	s5 =	sshll.u32 s26, $0x1;
	_ =	strace $0x80000046;
	[dreg:$0x1] =	wrdreg $0xFFFFFFFF  }
0xa8: {  	s28 =	simm.s32 $_size_execute0_lowered;
	s4 =	sadd.s32 s4, s5;
	[dreg:$0x0] =	wrdreg $0x0  }
0xa9: {  	s5 =	sshll.u32 s28, $0x1;
	[dreg:$0x2] =	wrdreg s4  }
0xaa: {  	[dreg:$0x3] =	wrdreg s5  }
0xab: {  	[dreg:$0x4] =	wrdreg $0xC0  }
0xac: {  	_ =	task [dreg:s8], $0x5FFFF  }
0xad: {  	[dreg:$0x1] =	wrdreg $0xFFFFFFFF  }
0xae: {  	[dreg:$0x0] =	wrdreg $0x60  }
0xaf: {  	[dreg:$0x2] =	wrdreg s2  }
0xb0: {  	[dreg:$0x3] =	wrdreg s19  }
0xb1: {  	[dreg:$0x4] =	wrdreg $0x96000  }
0xb2: {  	[dreg:$0x5] =	wrdreg $0x9  }
0xb3: {  	_ =	task.clear_ibuf [dreg:s8], $0x6FFFF;
	_ =	strace $0x90000046  }
0xb4: {  	s29 =	simm.s32 $0x9;
	_ =	strace $0x80000048  }
0xb5: {  	_ =	swait.ge [sflag:s29], $0x1  }
0xb6: {  	[sflag:s29] =	ssyncadd.s32 $0xFFFFFFFF  }
0xb7: {  	_ =	strace $0x90000048  }
0xb8: {  	_ =	sfence  }
0xb9: {  	s30 =	sld [smem:$0x0];
	_ =	sdelay $0x2  }
0xba: {  	s31 =	sshll.u32 s1, $0xD;
	s1 =	sshrl.u32 s1, $0x2  }
0xbb: {  	s3 =	sand.u32 $0x4000, s31;
	s1 =	sadd.s32 s1, s30  }
0xbc: {  	s0 =	sor.u32 s3, s0;
	s1 =	sshll.u32 s1, $0x11  }
0xbd: {  	s0 =	sor.u32 s1, s0  }
0xbe: {  	s0 =	sadd.s32 $0x8F2B, s0  }
0xbf: {  	[sflag:s0] =	ssyncadd.remote.s32 $0x1  }
0xc0: {  	_ =	sfence.sel $0xFFFF  }
0xc1: {  	[dreg:$0x0] =	wrdreg $0xFFFFFFFF;
	(pc) =	sbr.abs _section_cstart, $3  }
0xc2: {  	[dreg:$0x1] =	wrdreg $0xFFFFFFFF  }
0xc3: {  	_ =	task.clear_ibuf [dreg:s8], $0x2FFFF;
	_ =	strace $0x9FFFFFFF  }
0xc4: {  	(tm) =	ssettm $0x7FFFFFFF  }
0xc5: {  	_ =	shalt  }
tec
execute0_lowered:
.L_overlay_start_1:
0x0: {  	(tag) =	ssettag $0x1  }
0x1: {  	s4 =	rddreg [dreg:$0x0]  }
0x2: {  	s0 =	srdreg.scid;
	s5 =	rddreg [dreg:$0x1]  }
0x3: {  	s2 =	rddreg [dreg:$0x2];
	s12 =	simm.s32 $0x7;
	s13 =	simm.s32 $0x1  }
0x4: {  	s14 =	simm.s32 $0x80;
	s15 =	simm.s32 $0x1400;
	s16 =	simm.s32 $0x1480  }
0x5: {  	s17 =	simm.s32 $0x1500;
	s18 =	simm.s32 $0x1580;
	s19 =	simm.s32 $0x2  }
0x6: {  	s20 =	simm.s32 $0x3;
	s21 =	simm.s32 $0x4;
	s11 =	sand.u32 $0x1, s0  }
0x7: {  	s22 =	simm.s32 $0x5;
	s0 =	stileid.u32;
	s8 =	smul.u32 $0x28000, s11  }
0x8: {  	s25 =	simm.s32 $0x5600;
	s26 =	simm.s32 $0x0;
	s10 =	smul.u32 $0x50000, s0  }
0x9: {  	s1 =	sshll.u32 s11, $0x4;
	s7 =	ssub.s32 $0x2, s11;
	s24 =	smul.u32 $0x2800, s0  }
0xa: {  	p0 =	seq.s32 s11, $0x0;
	s11 =	simm.s32 $0x1600;
	s3 =	sor.u32 s0, s1  }
0xb: {  	s1 =	rddreg [dreg:$0x3];
	s9 =	sshrl.u32 s7, $0x1;
	s6 =	smul.u32 $0x280, s3  }
0xc: {  	s3 =	simm.s32 $0x0;
	s7 =	ssub.s32 s7, s9;
	s31 =	sshrl.u32 s10, $0x2  }
0xd: {  	s23 =	sadd.s32 s5, s8;
	[smem:$0x7FF] =	sst s3;
	s5 =	sadd.s32 s31, s2  }
0xe: {  	s23 =	sadd.s32 s24, s23;
	s24 =	simm.s32 $0x6;
	_ =	strace $0x80000047  }
0xf: {  	s4 =	sadd.s32 s4, s6;
	s6 =	smax.u32 s7, $0x1;
	s7 =	sadd.s32 $0x4000, s5  }
0x10: {  	v0 =	vimm.f32 $1.000000000e+00;
	v1 =	vimm.f32 $0.0e+00;
	s8 =	sadd.s32 $0x8000, s5;
	s9 =	sadd.s32 $0xC000, s5;
	s10 =	sadd.s32 $0x10000, s5  }
.LBB2_1:
0x11: {  	[tilespmem:s3], [sflag:$0x1] =	stream.linear.gather [hbm4b:s4+s3], $0x1400, $0x38;
	[tilespmem:$0x1D600] =	vst v63  }
0x12: {  	s28 =	simm.s32 $0x0;
	s29 =	simm.s32 $0x200  }
.LBB2_2:
0x13: {  	p1 =	sne.s32 s29, $0xFE00;
	[tilespmem:s28+$0x1670] =	vst v0  }
0x14: {  	[tilespmem:s28+$0x1600] =	vst v0  }
0x15: {  	[tilespmem:s28+$0x1610] =	vst v0  }
.Ltmp0:
0x16: {  	[tilespmem:s28+$0x1620] =	vst v0;
	(pc) =	sbr.rel @p1 .LBB2_2-.Ltmp0, $4  }
0x17: {  	[tilespmem:s28+$0x1630] =	vst v0  }
0x18: {  	[tilespmem:s28+$0x1640] =	vst v0  }
0x19: {  	[tilespmem:s28+$0x1650] =	vst v0  }
0x1a: {  	[tilespmem:s28+$0x1660] =	vst v0;
	s28 =	sshra.s32 s29, $0x2;
	s29 =	sadd.s32 $0x200, s29  }
0x1b: {  	[tilespmem:s28+$0x1670] =	vst v0  }
0x1c: {  	[tilespmem:s28+$0x1600] =	vst v0  }
0x1d: {  	[tilespmem:s28+$0x1610] =	vst v0  }
.Ltmp1:
0x1e: {  	[tilespmem:s28+$0x1620] =	vst v0;
	(pc) =	sbr.rel @!p0 .LBB2_4-.Ltmp1, $4  }
0x1f: {  	[tilespmem:s28+$0x1630] =	vst v0  }
0x20: {  	[tilespmem:s28+$0x1640] =	vst v0  }
0x21: {  	[tilespmem:s28+$0x1650] =	vst v0  }
0x22: {  	[tilespmem:s28+$0x1660] =	vst v0;
	s29 =	simm.s32 $0x0  }
0x23: {  	[spmem:s5] =	stream.linear.scatter [tilespmem:s11], [sflag:$0x7], $0x4000, $0x38;
	[tilespmem:$0x1D600] =	vst v63  }
0x24: {  	_ =	swait.ge [sflag:s12], $0x4000  }
0x25: {  	[sflag:s12] =	ssyncset.done $0x0  }
0x26: {  	[sflag:s12] =	ssyncadd.s32 $0xFFFFC000  }
0x27: {  	[spmem:s7] =	stream.linear.scatter [tilespmem:s11], [sflag:$0x7], $0x4000, $0x38;
	[tilespmem:$0x1D600] =	vst v63  }
0x28: {  	_ =	swait.ge [sflag:s12], $0x4000  }
0x29: {  	[sflag:s12] =	ssyncset.done $0x0  }
0x2a: {  	[sflag:s12] =	ssyncadd.s32 $0xFFFFC000  }
0x2b: {  	[spmem:s8] =	stream.linear.scatter [tilespmem:s11], [sflag:$0x7], $0x4000, $0x38;
	[tilespmem:$0x1D600] =	vst v63  }
0x2c: {  	_ =	swait.ge [sflag:s12], $0x4000  }
0x2d: {  	[sflag:s12] =	ssyncset.done $0x0  }
0x2e: {  	[sflag:s12] =	ssyncadd.s32 $0xFFFFC000  }
0x2f: {  	[spmem:s9] =	stream.linear.scatter [tilespmem:s11], [sflag:$0x7], $0x4000, $0x38;
	[tilespmem:$0x1D600] =	vst v63  }
0x30: {  	_ =	swait.ge [sflag:s12], $0x4000  }
0x31: {  	[sflag:s12] =	ssyncset.done $0x0  }
.Ltmp2:
0x32: {  	[sflag:s12] =	ssyncadd.s32 $0xFFFFC000;
	(pc) =	sbr.rel .LBB2_8-.Ltmp2, $4  }
0x33: {  	[spmem:s10] =	stream.linear.scatter [tilespmem:s11], [sflag:$0x7], $0x4000, $0x38;
	[tilespmem:$0x1D600] =	vst v63  }
0x34: {  	_ =	swait.ge [sflag:s12], $0x4000  }
0x35: {  	[sflag:s12] =	ssyncset.done $0x0  }
0x36: {  	[sflag:s12] =	ssyncadd.s32 $0xFFFFC000  }
.LBB2_4:
0x37: {  	s28 =	sshra.s32 s29, $0x2;
	s29 =	sadd.s32 $0x200, s29  }
.LBB2_5:
0x38: {  	p1 =	sne.s32 s29, $0xFE00;
	[tilespmem:s28+$0x5670] =	vst v1  }
0x39: {  	[tilespmem:s28+$0x5600] =	vst v1  }
0x3a: {  	[tilespmem:s28+$0x5610] =	vst v1  }
.Ltmp3:
0x3b: {  	[tilespmem:s28+$0x5620] =	vst v1;
	(pc) =	sbr.rel @p1 .LBB2_5-.Ltmp3, $4  }
0x3c: {  	[tilespmem:s28+$0x5630] =	vst v1  }
0x3d: {  	[tilespmem:s28+$0x5640] =	vst v1  }
0x3e: {  	[tilespmem:s28+$0x5650] =	vst v1  }
0x3f: {  	[tilespmem:s28+$0x5660] =	vst v1;
	s28 =	sshra.s32 s29, $0x2;
	s29 =	sadd.s32 $0x200, s29  }
0x40: {  	[tilespmem:s28+$0x5670] =	vst v1  }
0x41: {  	[tilespmem:s28+$0x5600] =	vst v1  }
0x42: {  	[tilespmem:s28+$0x5610] =	vst v1  }
0x43: {  	[tilespmem:s28+$0x5620] =	vst v1  }
0x44: {  	[tilespmem:s28+$0x5630] =	vst v1  }
0x45: {  	[tilespmem:s28+$0x5640] =	vst v1  }
0x46: {  	[tilespmem:s28+$0x5650] =	vst v1  }
0x47: {  	[tilespmem:s28+$0x5660] =	vst v1  }
0x48: {  	[spmem:s5] =	stream.linear.scatter [tilespmem:s25], [sflag:$0x6], $0x4000, $0x38;
	[tilespmem:$0x1D600] =	vst v63  }
0x49: {  	_ =	swait.ge [sflag:s24], $0x4000  }
0x4a: {  	[sflag:s24] =	ssyncset.done $0x0  }
0x4b: {  	[sflag:s24] =	ssyncadd.s32 $0xFFFFC000  }
0x4c: {  	[spmem:s7] =	stream.linear.scatter [tilespmem:s25], [sflag:$0x6], $0x4000, $0x38;
	[tilespmem:$0x1D600] =	vst v63  }
0x4d: {  	_ =	swait.ge [sflag:s24], $0x4000  }
0x4e: {  	[sflag:s24] =	ssyncset.done $0x0  }
0x4f: {  	[sflag:s24] =	ssyncadd.s32 $0xFFFFC000  }
0x50: {  	[spmem:s8] =	stream.linear.scatter [tilespmem:s25], [sflag:$0x6], $0x4000, $0x38;
	[tilespmem:$0x1D600] =	vst v63  }
0x51: {  	_ =	swait.ge [sflag:s24], $0x4000  }
0x52: {  	[sflag:s24] =	ssyncset.done $0x0  }
0x53: {  	[sflag:s24] =	ssyncadd.s32 $0xFFFFC000  }
0x54: {  	[spmem:s9] =	stream.linear.scatter [tilespmem:s25], [sflag:$0x6], $0x4000, $0x38;
	[tilespmem:$0x1D600] =	vst v63  }
0x55: {  	_ =	swait.ge [sflag:s24], $0x4000  }
0x56: {  	[sflag:s24] =	ssyncset.done $0x0  }
0x57: {  	[sflag:s24] =	ssyncadd.s32 $0xFFFFC000  }
0x58: {  	[spmem:s10] =	stream.linear.scatter [tilespmem:s25], [sflag:$0x6], $0x4000, $0x38;
	[tilespmem:$0x1D600] =	vst v63  }
0x59: {  	_ =	swait.ge [sflag:s24], $0x4000  }
0x5a: {  	[sflag:s24] =	ssyncset.done $0x0  }
0x5b: {  	[sflag:s24] =	ssyncadd.s32 $0xFFFFC000  }
.LBB2_8:
0x5c: {  	_ =	swait.ge [sflag:s13], $0x1400  }
0x5d: {  	[sflag:s13] =	ssyncset.done $0x0  }
0x5e: {  	[sflag:s13] =	ssyncadd.s32 $0xFFFFEC00  }
0x5f: {  	[bflag:$0x0] =	sbarrier.arrive $0xFFFF  }
0x60: {  	v2 =	vld [tilespmem:$0x0]  }
0x61: {  	v3 =	vld [tilespmem:$0x10]  }
0x62: {  	v4 =	vld [tilespmem:$0x20]  }
0x63: {  	v5 =	vld [tilespmem:$0x30]  }
0x64: {  	v6 =	vld [tilespmem:$0x40]  }
0x65: {  	v51 =	vld [tilespmem:$0x70];
	[tilespmem:$0x1400] =	vst v2  }
0x66: {  	v2 =	vld [tilespmem:$0x50];
	[tilespmem:$0x1410] =	vst v3  }
0x67: {  	v3 =	vld [tilespmem:$0x60];
	[tilespmem:$0x1420] =	vst v4  }
0x68: {  	[tilespmem:$0x1430] =	vst v5  }
0x69: {  	[tilespmem:$0x1440] =	vst v6  }
0x6a: {  	[tilespmem:$0x1470] =	vst v51  }
0x6b: {  	[tilespmem:$0x1450] =	vst v2  }
0x6c: {  	[tilespmem:$0x1460] =	vst v3  }
0x6d: {  	[spmem:s2] =	stream.indirect.scatter.add.f32 [tilespmem:s11], [sflag:$0x2], $0x80, s15, s14, $0xb8;
	[tilespmem:$0x1D600] =	vst v63  }
0x6e: {  	v2 =	vld [tilespmem:$0x80]  }
0x6f: {  	v3 =	vld [tilespmem:$0x90]  }
0x70: {  	v52 =	vld [tilespmem:$0xA0]  }
0x71: {  	v53 =	vld [tilespmem:$0xB0]  }
0x72: {  	v54 =	vld [tilespmem:$0xC0]  }
0x73: {  	v55 =	vld [tilespmem:$0xF0];
	[tilespmem:$0x1480] =	vst v2  }
0x74: {  	v2 =	vld [tilespmem:$0xD0];
	[tilespmem:$0x1490] =	vst v3  }
0x75: {  	v3 =	vld [tilespmem:$0xE0];
	[tilespmem:$0x14A0] =	vst v52  }
0x76: {  	[tilespmem:$0x14B0] =	vst v53  }
0x77: {  	[tilespmem:$0x14C0] =	vst v54  }
0x78: {  	[tilespmem:$0x14F0] =	vst v55  }
0x79: {  	[tilespmem:$0x14D0] =	vst v2  }
0x7a: {  	[tilespmem:$0x14E0] =	vst v3  }
0x7b: {  	[spmem:s2] =	stream.indirect.scatter.add.f32 [tilespmem:s11], [sflag:$0x3], $0x80, s16, s14, $0xb8;
	[tilespmem:$0x1D600] =	vst v63  }
0x7c: {  	v2 =	vld [tilespmem:$0x100]  }
0x7d: {  	v3 =	vld [tilespmem:$0x110]  }
0x7e: {  	v56 =	vld [tilespmem:$0x120]  }
0x7f: {  	v57 =	vld [tilespmem:$0x130]  }
0x80: {  	v58 =	vld [tilespmem:$0x140]  }
0x81: {  	v59 =	vld [tilespmem:$0x170];
	[tilespmem:$0x1500] =	vst v2  }
0x82: {  	v2 =	vld [tilespmem:$0x150];
	[tilespmem:$0x1510] =	vst v3  }
0x83: {  	v3 =	vld [tilespmem:$0x160];
	[tilespmem:$0x1520] =	vst v56  }
0x84: {  	[tilespmem:$0x1530] =	vst v57  }
0x85: {  	[tilespmem:$0x1540] =	vst v58  }
0x86: {  	[tilespmem:$0x1570] =	vst v59  }
0x87: {  	[tilespmem:$0x1550] =	vst v2  }
0x88: {  	[tilespmem:$0x1560] =	vst v3  }
0x89: {  	[spmem:s2] =	stream.indirect.scatter.add.f32 [tilespmem:s11], [sflag:$0x4], $0x80, s17, s14, $0xb8;
	[tilespmem:$0x1D600] =	vst v63  }
0x8a: {  	v2 =	vld [tilespmem:$0x180]  }
0x8b: {  	v3 =	vld [tilespmem:$0x190]  }
0x8c: {  	v60 =	vld [tilespmem:$0x1A0]  }
0x8d: {  	v61 =	vld [tilespmem:$0x1B0]  }
0x8e: {  	v62 =	vld [tilespmem:$0x1C0]  }
0x8f: {  	v63 =	vld [tilespmem:$0x1F0];
	[tilespmem:$0x1580] =	vst v2  }
0x90: {  	v2 =	vld [tilespmem:$0x1D0];
	[tilespmem:$0x1590] =	vst v3  }
0x91: {  	v3 =	vld [tilespmem:$0x1E0];
	[tilespmem:$0x15A0] =	vst v60  }
0x92: {  	[tilespmem:$0x15B0] =	vst v61  }
0x93: {  	[tilespmem:$0x15C0] =	vst v62  }
0x94: {  	[tilespmem:$0x15F0] =	vst v63  }
0x95: {  	[tilespmem:$0x15D0] =	vst v2  }
0x96: {  	[tilespmem:$0x15E0] =	vst v3  }
0x97: {  	[spmem:s2] =	stream.indirect.scatter.add.f32 [tilespmem:s11], [sflag:$0x5], $0x80, s18, s14, $0xb8;
	[tilespmem:$0x1D600] =	vst v63  }
0x98: {  	_ =	swait.ge [sflag:s19], $0x4000  }
0x99: {  	[sflag:s19] =	ssyncset.done $0x0  }
0x9a: {  	s28 =	simm.s32 $0x3F0;
	[sflag:s19] =	ssyncadd.s32 $0xFFFFC000  }
0x9b: {  	v2 =	vld [tilespmem:s28+$0xFFFFFE10];
	_ =	sdelay $0x4  }
0x9c: {  	[tilespmem:$0x1400] =	vst v2  }
0x9d: {  	v2 =	vld [tilespmem:s28+$0xFFFFFE20];
	_ =	sdelay $0x4  }
0x9e: {  	[tilespmem:$0x1410] =	vst v2  }
0x9f: {  	v2 =	vld [tilespmem:s28+$0xFFFFFE30];
	_ =	sdelay $0x4  }
0xa0: {  	[tilespmem:$0x1420] =	vst v2  }
0xa1: {  	v2 =	vld [tilespmem:s28+$0xFFFFFE40];
	_ =	sdelay $0x4  }
0xa2: {  	[tilespmem:$0x1430] =	vst v2  }
0xa3: {  	v2 =	vld [tilespmem:s28+$0xFFFFFE50];
	_ =	sdelay $0x4  }
0xa4: {  	[tilespmem:$0x1440] =	vst v2  }
0xa5: {  	v2 =	vld [tilespmem:s28+$0xFFFFFE60];
	_ =	sdelay $0x4  }
0xa6: {  	[tilespmem:$0x1450] =	vst v2  }
0xa7: {  	v2 =	vld [tilespmem:s28+$0xFFFFFE70];
	_ =	sdelay $0x4  }
0xa8: {  	[tilespmem:$0x1460] =	vst v2  }
0xa9: {  	v2 =	vld [tilespmem:s28+$0xFFFFFE80];
	_ =	sdelay $0x4  }
0xaa: {  	[tilespmem:$0x1470] =	vst v2  }
0xab: {  	[spmem:s2] =	stream.indirect.scatter.add.f32 [tilespmem:s11], [sflag:$0x2], $0x80, s15, s14, $0xb8;
	[tilespmem:$0x1D600] =	vst v63  }
0xac: {  	_ =	swait.ge [sflag:s20], $0x4000  }
0xad: {  	[sflag:s20] =	ssyncset.done $0x0  }
0xae: {  	[sflag:s20] =	ssyncadd.s32 $0xFFFFC000  }
0xaf: {  	v2 =	vld [tilespmem:s28+$0xFFFFFE90];
	_ =	sdelay $0x4  }
0xb0: {  	[tilespmem:$0x1480] =	vst v2  }
0xb1: {  	v2 =	vld [tilespmem:s28+$0xFFFFFEA0];
	_ =	sdelay $0x4  }
0xb2: {  	[tilespmem:$0x1490] =	vst v2  }
0xb3: {  	v2 =	vld [tilespmem:s28+$0xFFFFFEB0];
	_ =	sdelay $0x4  }
0xb4: {  	[tilespmem:$0x14A0] =	vst v2  }
0xb5: {  	v2 =	vld [tilespmem:s28+$0xFFFFFEC0];
	_ =	sdelay $0x4  }
0xb6: {  	[tilespmem:$0x14B0] =	vst v2  }
0xb7: {  	v2 =	vld [tilespmem:s28+$0xFFFFFED0];
	_ =	sdelay $0x4  }
0xb8: {  	[tilespmem:$0x14C0] =	vst v2  }
0xb9: {  	v2 =	vld [tilespmem:s28+$0xFFFFFEE0];
	_ =	sdelay $0x4  }
0xba: {  	[tilespmem:$0x14D0] =	vst v2  }
0xbb: {  	v2 =	vld [tilespmem:s28+$0xFFFFFEF0];
	_ =	sdelay $0x4  }
0xbc: {  	[tilespmem:$0x14E0] =	vst v2  }
0xbd: {  	v2 =	vld [tilespmem:s28+$0xFFFFFF00];
	_ =	sdelay $0x4  }
0xbe: {  	[tilespmem:$0x14F0] =	vst v2  }
0xbf: {  	[spmem:s2] =	stream.indirect.scatter.add.f32 [tilespmem:s11], [sflag:$0x3], $0x80, s16, s14, $0xb8;
	[tilespmem:$0x1D600] =	vst v63  }
0xc0: {  	_ =	swait.ge [sflag:s21], $0x4000  }
0xc1: {  	[sflag:s21] =	ssyncset.done $0x0  }
0xc2: {  	[sflag:s21] =	ssyncadd.s32 $0xFFFFC000  }
0xc3: {  	v2 =	vld [tilespmem:s28+$0xFFFFFF10];
	_ =	sdelay $0x4  }
0xc4: {  	[tilespmem:$0x1500] =	vst v2  }
0xc5: {  	v2 =	vld [tilespmem:s28+$0xFFFFFF20];
	_ =	sdelay $0x4  }
0xc6: {  	[tilespmem:$0x1510] =	vst v2  }
0xc7: {  	v2 =	vld [tilespmem:s28+$0xFFFFFF30];
	_ =	sdelay $0x4  }
0xc8: {  	[tilespmem:$0x1520] =	vst v2  }
0xc9: {  	v2 =	vld [tilespmem:s28+$0xFFFFFF40];
	_ =	sdelay $0x4  }
0xca: {  	[tilespmem:$0x1530] =	vst v2  }
0xcb: {  	v2 =	vld [tilespmem:s28+$0xFFFFFF50];
	_ =	sdelay $0x4  }
0xcc: {  	[tilespmem:$0x1540] =	vst v2  }
0xcd: {  	v2 =	vld [tilespmem:s28+$0xFFFFFF60];
	_ =	sdelay $0x4  }
0xce: {  	[tilespmem:$0x1550] =	vst v2  }
0xcf: {  	v2 =	vld [tilespmem:s28+$0xFFFFFF70];
	_ =	sdelay $0x4  }
0xd0: {  	[tilespmem:$0x1560] =	vst v2  }
0xd1: {  	v2 =	vld [tilespmem:s28+$0xFFFFFF80];
	_ =	sdelay $0x4  }
0xd2: {  	[tilespmem:$0x1570] =	vst v2  }
0xd3: {  	[spmem:s2] =	stream.indirect.scatter.add.f32 [tilespmem:s11], [sflag:$0x4], $0x80, s17, s14, $0xb8;
	[tilespmem:$0x1D600] =	vst v63  }
0xd4: {  	_ =	swait.ge [sflag:s22], $0x4000  }
0xd5: {  	[sflag:s22] =	ssyncset.done $0x0  }
0xd6: {  	[sflag:s22] =	ssyncadd.s32 $0xFFFFC000  }
0xd7: {  	v2 =	vld [tilespmem:s28+$0xFFFFFF90];
	_ =	sdelay $0x4  }
0xd8: {  	[tilespmem:$0x1580] =	vst v2  }
0xd9: {  	v2 =	vld [tilespmem:s28+$0xFFFFFFA0];
	_ =	sdelay $0x4  }
0xda: {  	[tilespmem:$0x1590] =	vst v2  }
0xdb: {  	v2 =	vld [tilespmem:s28+$0xFFFFFFB0];
	_ =	sdelay $0x4  }
0xdc: {  	[tilespmem:$0x15A0] =	vst v2  }
0xdd: {  	v2 =	vld [tilespmem:s28+$0xFFFFFFC0];
	_ =	sdelay $0x4  }
0xde: {  	[tilespmem:$0x15B0] =	vst v2  }
0xdf: {  	v2 =	vld [tilespmem:s28+$0xFFFFFFD0];
	_ =	sdelay $0x4  }
0xe0: {  	[tilespmem:$0x15C0] =	vst v2  }
0xe1: {  	v2 =	vld [tilespmem:s28+$0xFFFFFFE0];
	_ =	sdelay $0x4  }
0xe2: {  	[tilespmem:$0x15D0] =	vst v2  }
0xe3: {  	v2 =	vld [tilespmem:s28+$0xFFFFFFF0];
	_ =	sdelay $0x4  }
0xe4: {  	[tilespmem:$0x15E0] =	vst v2  }
0xe5: {  	v2 =	vld [tilespmem:s28+$0x0];
	_ =	sdelay $0x4  }
0xe6: {  	[tilespmem:$0x15F0] =	vst v2  }
0xe7: {  	[spmem:s2] =	stream.indirect.scatter.add.f32 [tilespmem:s11], [sflag:$0x5], $0x80, s18, s14, $0xb8;
	[tilespmem:$0x1D600] =	vst v63  }
0xe8: {  	_ =	swait.ge [sflag:s19], $0x4000  }
0xe9: {  	s31 =	simm.s32 $0x1FC0;
	s28 =	simm.s32 $0x17C0;
	[sflag:s19] =	ssyncset.done $0x0  }
.LBB2_9:
0xea: {  	s30 =	sshra.s32 s28, $0x2  }
0xeb: {  	[sflag:s19] =	ssyncadd.s32 $0xFFFFC000;
	s28 =	smov.u32 s31;
	s29 =	sadd.s32 $0x800, s31  }
0xec: {  	p1 =	sne.s32 s31, $0x4FC0;
	v2 =	vld [tilespmem:s30+$0xFFFFFE10];
	_ =	sdelay $0x4  }
0xed: {  	[tilespmem:$0x1400] =	vst v2  }
0xee: {  	v2 =	vld [tilespmem:s30+$0xFFFFFE20];
	_ =	sdelay $0x4  }
0xef: {  	[tilespmem:$0x1410] =	vst v2  }
0xf0: {  	v2 =	vld [tilespmem:s30+$0xFFFFFE30];
	_ =	sdelay $0x4  }
0xf1: {  	[tilespmem:$0x1420] =	vst v2  }
0xf2: {  	v2 =	vld [tilespmem:s30+$0xFFFFFE40];
	_ =	sdelay $0x4  }
0xf3: {  	[tilespmem:$0x1430] =	vst v2  }
0xf4: {  	v2 =	vld [tilespmem:s30+$0xFFFFFE50];
	_ =	sdelay $0x4  }
0xf5: {  	[tilespmem:$0x1440] =	vst v2  }
0xf6: {  	v2 =	vld [tilespmem:s30+$0xFFFFFE60];
	_ =	sdelay $0x4  }
0xf7: {  	[tilespmem:$0x1450] =	vst v2  }
0xf8: {  	v2 =	vld [tilespmem:s30+$0xFFFFFE70];
	_ =	sdelay $0x4  }
0xf9: {  	[tilespmem:$0x1460] =	vst v2  }
0xfa: {  	v2 =	vld [tilespmem:s30+$0xFFFFFE80];
	_ =	sdelay $0x4  }
0xfb: {  	[tilespmem:$0x1470] =	vst v2  }
0xfc: {  	[spmem:s2] =	stream.indirect.scatter.add.f32 [tilespmem:s11], [sflag:$0x2], $0x80, s15, s14, $0xb8;
	[tilespmem:$0x1D600] =	vst v63  }
0xfd: {  	_ =	swait.ge [sflag:s20], $0x4000  }
0xfe: {  	[sflag:s20] =	ssyncset.done $0x0  }
0xff: {  	[sflag:s20] =	ssyncadd.s32 $0xFFFFC000  }
0x100: {  	v2 =	vld [tilespmem:s30+$0xFFFFFE90];
	_ =	sdelay $0x4  }
0x101: {  	[tilespmem:$0x1480] =	vst v2  }
0x102: {  	v2 =	vld [tilespmem:s30+$0xFFFFFEA0];
	_ =	sdelay $0x4  }
0x103: {  	[tilespmem:$0x1490] =	vst v2  }
0x104: {  	v2 =	vld [tilespmem:s30+$0xFFFFFEB0];
	_ =	sdelay $0x4  }
0x105: {  	[tilespmem:$0x14A0] =	vst v2  }
0x106: {  	v2 =	vld [tilespmem:s30+$0xFFFFFEC0];
	_ =	sdelay $0x4  }
0x107: {  	[tilespmem:$0x14B0] =	vst v2  }
0x108: {  	v2 =	vld [tilespmem:s30+$0xFFFFFED0];
	_ =	sdelay $0x4  }
0x109: {  	[tilespmem:$0x14C0] =	vst v2  }
0x10a: {  	v2 =	vld [tilespmem:s30+$0xFFFFFEE0];
	_ =	sdelay $0x4  }
0x10b: {  	[tilespmem:$0x14D0] =	vst v2  }
0x10c: {  	v2 =	vld [tilespmem:s30+$0xFFFFFEF0];
	_ =	sdelay $0x4  }
0x10d: {  	[tilespmem:$0x14E0] =	vst v2  }
0x10e: {  	v2 =	vld [tilespmem:s30+$0xFFFFFF00];
	_ =	sdelay $0x4  }
0x10f: {  	[tilespmem:$0x14F0] =	vst v2  }
0x110: {  	[spmem:s2] =	stream.indirect.scatter.add.f32 [tilespmem:s11], [sflag:$0x3], $0x80, s16, s14, $0xb8;
	[tilespmem:$0x1D600] =	vst v63  }
0x111: {  	_ =	swait.ge [sflag:s21], $0x4000  }
0x112: {  	[sflag:s21] =	ssyncset.done $0x0  }
0x113: {  	[sflag:s21] =	ssyncadd.s32 $0xFFFFC000  }
0x114: {  	v2 =	vld [tilespmem:s30+$0xFFFFFF10];
	_ =	sdelay $0x4  }
0x115: {  	[tilespmem:$0x1500] =	vst v2  }
0x116: {  	v2 =	vld [tilespmem:s30+$0xFFFFFF20];
	_ =	sdelay $0x4  }
0x117: {  	[tilespmem:$0x1510] =	vst v2  }
0x118: {  	v2 =	vld [tilespmem:s30+$0xFFFFFF30];
	_ =	sdelay $0x4  }
0x119: {  	[tilespmem:$0x1520] =	vst v2  }
0x11a: {  	v2 =	vld [tilespmem:s30+$0xFFFFFF40];
	_ =	sdelay $0x4  }
0x11b: {  	[tilespmem:$0x1530] =	vst v2  }
0x11c: {  	v2 =	vld [tilespmem:s30+$0xFFFFFF50];
	_ =	sdelay $0x4  }
0x11d: {  	[tilespmem:$0x1540] =	vst v2  }
0x11e: {  	v2 =	vld [tilespmem:s30+$0xFFFFFF60];
	_ =	sdelay $0x4  }
0x11f: {  	[tilespmem:$0x1550] =	vst v2  }
0x120: {  	v2 =	vld [tilespmem:s30+$0xFFFFFF70];
	_ =	sdelay $0x4  }
0x121: {  	[tilespmem:$0x1560] =	vst v2  }
0x122: {  	v2 =	vld [tilespmem:s30+$0xFFFFFF80];
	_ =	sdelay $0x4  }
0x123: {  	[tilespmem:$0x1570] =	vst v2  }
0x124: {  	[spmem:s2] =	stream.indirect.scatter.add.f32 [tilespmem:s11], [sflag:$0x4], $0x80, s17, s14, $0xb8;
	[tilespmem:$0x1D600] =	vst v63  }
0x125: {  	_ =	swait.ge [sflag:s22], $0x4000  }
0x126: {  	[sflag:s22] =	ssyncset.done $0x0  }
0x127: {  	[sflag:s22] =	ssyncadd.s32 $0xFFFFC000  }
0x128: {  	v2 =	vld [tilespmem:s30+$0xFFFFFF90];
	_ =	sdelay $0x4  }
0x129: {  	[tilespmem:$0x1580] =	vst v2  }
0x12a: {  	v2 =	vld [tilespmem:s30+$0xFFFFFFA0];
	_ =	sdelay $0x4  }
0x12b: {  	[tilespmem:$0x1590] =	vst v2  }
0x12c: {  	v2 =	vld [tilespmem:s30+$0xFFFFFFB0];
	_ =	sdelay $0x4  }
0x12d: {  	[tilespmem:$0x15A0] =	vst v2  }
0x12e: {  	v2 =	vld [tilespmem:s30+$0xFFFFFFC0];
	_ =	sdelay $0x4  }
0x12f: {  	[tilespmem:$0x15B0] =	vst v2  }
0x130: {  	v2 =	vld [tilespmem:s30+$0xFFFFFFD0];
	_ =	sdelay $0x4  }
0x131: {  	[tilespmem:$0x15C0] =	vst v2  }
0x132: {  	v2 =	vld [tilespmem:s30+$0xFFFFFFE0];
	_ =	sdelay $0x4  }
0x133: {  	[tilespmem:$0x15D0] =	vst v2  }
0x134: {  	v2 =	vld [tilespmem:s30+$0xFFFFFFF0];
	_ =	sdelay $0x4  }
0x135: {  	[tilespmem:$0x15E0] =	vst v2  }
0x136: {  	v2 =	vld [tilespmem:s30+$0x0];
	_ =	sdelay $0x3  }
.Ltmp4:
0x137: {  	(pc) =	sbr.rel @p1 .LBB2_9-.Ltmp4, $4  }
0x138: {  	[tilespmem:$0x15F0] =	vst v2  }
0x139: {  	[spmem:s2] =	stream.indirect.scatter.add.f32 [tilespmem:s11], [sflag:$0x5], $0x80, s18, s14, $0xb8;
	[tilespmem:$0x1D600] =	vst v63  }
0x13a: {  	_ =	swait.ge [sflag:s19], $0x4000  }
0x13b: {  	s31 =	smov.u32 s29;
	[sflag:s19] =	ssyncset.done $0x0  }
0x13c: {  	s28 =	sshra.s32 s28, $0x2;
	[sflag:s19] =	ssyncadd.s32 $0xFFFFC000  }
0x13d: {  	v2 =	vld [tilespmem:s28+$0xFFFFFE10];
	_ =	sdelay $0x4  }
0x13e: {  	[tilespmem:$0x1400] =	vst v2  }
0x13f: {  	v2 =	vld [tilespmem:s28+$0xFFFFFE20];
	_ =	sdelay $0x4  }
0x140: {  	[tilespmem:$0x1410] =	vst v2  }
0x141: {  	v2 =	vld [tilespmem:s28+$0xFFFFFE30];
	_ =	sdelay $0x4  }
0x142: {  	[tilespmem:$0x1420] =	vst v2  }
0x143: {  	v2 =	vld [tilespmem:s28+$0xFFFFFE40];
	_ =	sdelay $0x4  }
0x144: {  	[tilespmem:$0x1430] =	vst v2  }
0x145: {  	v2 =	vld [tilespmem:s28+$0xFFFFFE50];
	_ =	sdelay $0x4  }
0x146: {  	[tilespmem:$0x1440] =	vst v2  }
0x147: {  	v2 =	vld [tilespmem:s28+$0xFFFFFE60];
	_ =	sdelay $0x4  }
0x148: {  	[tilespmem:$0x1450] =	vst v2  }
0x149: {  	v2 =	vld [tilespmem:s28+$0xFFFFFE70];
	_ =	sdelay $0x4  }
0x14a: {  	[tilespmem:$0x1460] =	vst v2  }
0x14b: {  	v2 =	vld [tilespmem:s28+$0xFFFFFE80];
	_ =	sdelay $0x4  }
0x14c: {  	[tilespmem:$0x1470] =	vst v2  }
0x14d: {  	[spmem:s2] =	stream.indirect.scatter.add.f32 [tilespmem:s11], [sflag:$0x2], $0x80, s15, s14, $0xb8;
	[tilespmem:$0x1D600] =	vst v63  }
0x14e: {  	_ =	swait.ge [sflag:s20], $0x4000  }
0x14f: {  	[sflag:s20] =	ssyncset.done $0x0  }
0x150: {  	[sflag:s20] =	ssyncadd.s32 $0xFFFFC000  }
0x151: {  	v2 =	vld [tilespmem:s28+$0xFFFFFE90];
	_ =	sdelay $0x4  }
0x152: {  	[tilespmem:$0x1480] =	vst v2  }
0x153: {  	v2 =	vld [tilespmem:s28+$0xFFFFFEA0];
	_ =	sdelay $0x4  }
0x154: {  	[tilespmem:$0x1490] =	vst v2  }
0x155: {  	v2 =	vld [tilespmem:s28+$0xFFFFFEB0];
	_ =	sdelay $0x4  }
0x156: {  	[tilespmem:$0x14A0] =	vst v2  }
0x157: {  	v2 =	vld [tilespmem:s28+$0xFFFFFEC0];
	_ =	sdelay $0x4  }
0x158: {  	[tilespmem:$0x14B0] =	vst v2  }
0x159: {  	v2 =	vld [tilespmem:s28+$0xFFFFFED0];
	_ =	sdelay $0x4  }
0x15a: {  	[tilespmem:$0x14C0] =	vst v2  }
0x15b: {  	v2 =	vld [tilespmem:s28+$0xFFFFFEE0];
	_ =	sdelay $0x4  }
0x15c: {  	[tilespmem:$0x14D0] =	vst v2  }
0x15d: {  	v2 =	vld [tilespmem:s28+$0xFFFFFEF0];
	_ =	sdelay $0x4  }
0x15e: {  	[tilespmem:$0x14E0] =	vst v2  }
0x15f: {  	v2 =	vld [tilespmem:s28+$0xFFFFFF00];
	_ =	sdelay $0x4  }
0x160: {  	[tilespmem:$0x14F0] =	vst v2  }
0x161: {  	[spmem:s2] =	stream.indirect.scatter.add.f32 [tilespmem:s11], [sflag:$0x3], $0x80, s16, s14, $0xb8;
	[tilespmem:$0x1D600] =	vst v63  }
0x162: {  	_ =	swait.ge [sflag:s21], $0x4000  }
0x163: {  	[sflag:s21] =	ssyncset.done $0x0  }
0x164: {  	[sflag:s21] =	ssyncadd.s32 $0xFFFFC000  }
0x165: {  	v2 =	vld [tilespmem:s28+$0xFFFFFF10];
	_ =	sdelay $0x4  }
0x166: {  	[tilespmem:$0x1500] =	vst v2  }
0x167: {  	v2 =	vld [tilespmem:s28+$0xFFFFFF20];
	_ =	sdelay $0x4  }
0x168: {  	[tilespmem:$0x1510] =	vst v2  }
0x169: {  	v2 =	vld [tilespmem:s28+$0xFFFFFF30];
	_ =	sdelay $0x4  }
0x16a: {  	[tilespmem:$0x1520] =	vst v2  }
0x16b: {  	v2 =	vld [tilespmem:s28+$0xFFFFFF40];
	_ =	sdelay $0x4  }
0x16c: {  	[tilespmem:$0x1530] =	vst v2  }
0x16d: {  	v2 =	vld [tilespmem:s28+$0xFFFFFF50];
	_ =	sdelay $0x4  }
0x16e: {  	[tilespmem:$0x1540] =	vst v2  }
0x16f: {  	v2 =	vld [tilespmem:s28+$0xFFFFFF60];
	_ =	sdelay $0x4  }
0x170: {  	[tilespmem:$0x1550] =	vst v2  }
0x171: {  	v2 =	vld [tilespmem:s28+$0xFFFFFF70];
	_ =	sdelay $0x4  }
0x172: {  	[tilespmem:$0x1560] =	vst v2  }
0x173: {  	v2 =	vld [tilespmem:s28+$0xFFFFFF80];
	_ =	sdelay $0x4  }
0x174: {  	[tilespmem:$0x1570] =	vst v2  }
0x175: {  	[spmem:s2] =	stream.indirect.scatter.add.f32 [tilespmem:s11], [sflag:$0x4], $0x80, s17, s14, $0xb8;
	[tilespmem:$0x1D600] =	vst v63  }
0x176: {  	_ =	swait.ge [sflag:s22], $0x4000  }
0x177: {  	[sflag:s22] =	ssyncset.done $0x0  }
0x178: {  	[sflag:s22] =	ssyncadd.s32 $0xFFFFC000  }
0x179: {  	v2 =	vld [tilespmem:s28+$0xFFFFFF90];
	_ =	sdelay $0x4  }
0x17a: {  	[tilespmem:$0x1580] =	vst v2  }
0x17b: {  	v2 =	vld [tilespmem:s28+$0xFFFFFFA0];
	_ =	sdelay $0x4  }
0x17c: {  	[tilespmem:$0x1590] =	vst v2  }
0x17d: {  	v2 =	vld [tilespmem:s28+$0xFFFFFFB0];
	_ =	sdelay $0x4  }
0x17e: {  	[tilespmem:$0x15A0] =	vst v2  }
0x17f: {  	v2 =	vld [tilespmem:s28+$0xFFFFFFC0];
	_ =	sdelay $0x4  }
0x180: {  	[tilespmem:$0x15B0] =	vst v2  }
0x181: {  	v2 =	vld [tilespmem:s28+$0xFFFFFFD0];
	_ =	sdelay $0x4  }
0x182: {  	[tilespmem:$0x15C0] =	vst v2  }
0x183: {  	v2 =	vld [tilespmem:s28+$0xFFFFFFE0];
	_ =	sdelay $0x4  }
0x184: {  	[tilespmem:$0x15D0] =	vst v2  }
0x185: {  	v2 =	vld [tilespmem:s28+$0xFFFFFFF0];
	_ =	sdelay $0x4  }
0x186: {  	[tilespmem:$0x15E0] =	vst v2  }
0x187: {  	v2 =	vld [tilespmem:s28+$0x0];
	_ =	sdelay $0x4  }
0x188: {  	[tilespmem:$0x15F0] =	vst v2  }
0x189: {  	[spmem:s2] =	stream.indirect.scatter.add.f32 [tilespmem:s11], [sflag:$0x5], $0x80, s18, s14, $0xb8;
	[tilespmem:$0x1D600] =	vst v63  }
0x18a: {  	_ =	swait.ge [sflag:s19], $0x4000  }
0x18b: {  	[sflag:s19] =	ssyncset.done $0x0  }
0x18c: {  	[sflag:s19] =	ssyncadd.s32 $0xFFFFC000  }
0x18d: {  	_ =	swait.ge [sflag:s20], $0x4000  }
0x18e: {  	[sflag:s20] =	ssyncset.done $0x0  }
0x18f: {  	[sflag:s20] =	ssyncadd.s32 $0xFFFFC000  }
0x190: {  	_ =	swait.ge [sflag:s21], $0x4000  }
0x191: {  	[sflag:s21] =	ssyncset.done $0x0  }
0x192: {  	[sflag:s21] =	ssyncadd.s32 $0xFFFFC000  }
0x193: {  	_ =	swait.ge [sflag:s22], $0x4000  }
0x194: {  	s31 =	sshll.u32 s0, $0x6;
	s26 =	sadd.s32 $0x1, s26;
	[sflag:s22] =	ssyncset.done $0x0  }
0x195: {  	s29 =	sshrl.u32 s5, $0x3;
	p1 =	sne.s32 s26, s6;
	[sflag:s22] =	ssyncadd.s32 $0xFFFFC000  }
.Ltmp5:
0x196: {  	s28 =	sor.u32 $0x1C06, s31;
	[bflag:$0x0] =	sbarrier.arrive $0xFFFF;
	(pc) =	sbr.rel @p1 .LBB2_1-.Ltmp5, $4  }
0x197: {  	[hbm:s23], [sflag:s28] =	dma.local [spmem:s29], $0x2800  }
0x198: {  	_ =	swait.ge [sflag:s24], $0x2800  }
0x199: {  	[sflag:s24] =	ssyncset.done $0x0  }
0x19a: {  	[sflag:s24] =	ssyncadd.s32 $0xFFFFD800  }
0x19b: {  	_ =	sfence.sel $0x180000  }
0x19c: {  	[bflag:$0x0] =	sbarrier.arrive $0xFFFF  }
0x19d: {  	p0 =	sne.s32 s0, $0x0;
	_ =	strace $0x90000047  }
0x19e: {  	s0 =	sadd.s32 @!p0 $0x100000, s1;
	[bflag:$0x2] =	sbarrier.arrive $0xFFFF  }
0x19f: {  	[sflag:s0] =	ssyncadd.tile.s32 @!p0 $0x1;
	_ =	shalt  }
.Lfunc_end2:
_tile_overlayer_lowered:
.L_overlay_start_2:
0x1a0: {  	(tag) =	ssettag $0x2  }
0x1a1: {  	s0 =	rddreg [dreg:$0x0];
	s2 =	stileid.u32  }
0x1a2: {  	s1 =	rddreg [dreg:$0x1];
	p0 =	sne.s32 s2, $0x0  }
0x1a3: {  	s3 =	rddreg [dreg:$0x2];
	[bflag:$0x3] =	sbarrier.arrive $0xFFFF;
	s2 =	simm.s32 @!p0 $0x1C06  }
0x1a4: {  	[timem:s3], [sflag:s2] =	dma.local @!p0 [hbm:s0], s1  }
0x1a5: {  	s0 =	simm.s32 @!p0 $0x6  }
0x1a6: {  	_ =	swait.ge @!p0 [sflag:s0], s1  }
0x1a7: {  	s1 =	ssub.s32 @!p0 $0x0, s1;
	[sflag:s0] =	ssyncset.done @!p0 $0x0  }
0x1a8: {  	[sflag:s0] =	ssyncadd.s32 @!p0 s1  }
0x1a9: {  	[bflag:$0x3] =	sbarrier.arrive $0xFFFF  }
0x1aa: {  	_ =	shalt  }

</sc_bundles>
